<compile_context>
chip_gen: v7x
topology: tpu7x:2x2x1
jax: 0.10.2.dev20260603
libtpu: 0.0.44.dev20260713+nightly
codegen_flags: <defaults>
</compile_context>

<pallas_src>
import functools

import jax
import jax.numpy as jnp
from jax import lax
from jax.experimental import pallas as pl
from jax.experimental.pallas import tpu as pltpu
from jax.experimental.pallas import tpu_sc as plsc

N = 10000
E = 320000
D = 128
NC = 2
NS = 16
NW = NC * NS
CHUNK = 128
NCHUNKS = E // CHUNK
NPAD = 10240
RPT = NPAD // NS
NCH1 = 157
NSTEP = 81
P = 3
NPAD3 = 10112
RPT3 = NPAD3 // NS

_mesh = plsc.VectorSubcoreMesh(core_axis_name="c", subcore_axis_name="s")


@functools.partial(
    pl.kernel,
    out_type=(
        jax.ShapeDtypeStruct((NPAD,), jnp.float32),
        jax.ShapeDtypeStruct((NPAD,), jnp.float32),
    ),
    mesh=_mesh,
    scratch_types=[
        pltpu.VMEM((NCH1, CHUNK), jnp.int32),
        pltpu.VMEM((CHUNK,), jnp.float32),
        pltpu.VMEM((RPT,), jnp.float32),
        pltpu.VMEM_SHARED((NPAD,), jnp.float32),
        pltpu.SemaphoreType.DMA,
    ],
)
def _deg_kernel(src_hbm, dst_hbm, deg0_hbm, deg1_hbm, idx_v, ones_v, buf_v,
                hist_sh, isem):
    c = lax.axis_index("c")
    s = lax.axis_index("s")

    ones16 = jnp.ones((16,), jnp.float32)
    zeros16 = jnp.zeros((16,), jnp.float32)
    for k in range(CHUNK // 16):
        ones_v[pl.ds(k * 16, 16)] = ones16

    def zbody(i, _):
        buf_v[pl.ds(i * 16, 16)] = zeros16
        return 0

    lax.fori_loop(0, RPT // 16, zbody, 0)
    pltpu.sync_copy(buf_v, hist_sh.at[pl.ds(s * RPT, RPT)])

    def preload(edge_ref):
        def pre(j, _):
            cid = jnp.minimum(s + j * NS, NCHUNKS - 1)
            base = pl.multiple_of(cid * CHUNK, CHUNK)
            pltpu.async_copy(edge_ref.at[pl.ds(base, CHUNK)], idx_v.at[j],
                             isem)
            return 0

        lax.fori_loop(0, NCH1, pre, 0)

        def drain(j, _):
            pltpu.make_async_copy(edge_ref.at[pl.ds(0, CHUNK)], idx_v.at[0],
                                  isem).wait()
            return 0

        lax.fori_loop(0, NCH1, drain, 0)

    @pl.when(c == 0)
    def _():
        preload(src_hbm)

    @pl.when(c == 1)
    def _():
        preload(dst_hbm)

    plsc.subcore_barrier()

    nch = (NCHUNKS - s + NS - 1) // NS

    def scat(j, _):
        @pl.when(j < nch)
        def _():
            pltpu.sync_copy(ones_v, hist_sh.at[idx_v.at[j]], add=True)

        return 0

    lax.fori_loop(0, NCH1, scat, 0)
    plsc.subcore_barrier()
    off = pl.multiple_of(s * RPT, RPT)
    pltpu.sync_copy(hist_sh.at[pl.ds(off, RPT)], buf_v)

    @pl.when(c == 0)
    def _():
        pltpu.sync_copy(buf_v, deg0_hbm.at[pl.ds(off, RPT)])

    @pl.when(c == 1)
    def _():
        pltpu.sync_copy(buf_v, deg1_hbm.at[pl.ds(off, RPT)])


@functools.partial(
    pl.kernel,
    out_type=(
        jax.ShapeDtypeStruct((NPAD3, D), jnp.float32),
        jax.ShapeDtypeStruct((NPAD3, D), jnp.float32),
    ),
    mesh=_mesh,
    scratch_types=(
        [pltpu.VMEM((P, CHUNK), jnp.int32)]
        + [pltpu.VMEM((P, CHUNK), jnp.int32)]
        + [pltpu.VMEM((P, CHUNK, D), jnp.float32)]
        + [pltpu.VMEM_SHARED((NPAD3, D), jnp.float32)]
        + [pltpu.SemaphoreType.DMA for _ in range(2 * P)]
    ),
)
def _agg_kernel(feat_hbm, src_hbm, dst_hbm, out0_hbm, out1_hbm,
                si_v, di_v, rows_v, acc_sh, i0, i1, i2, g0, g1, g2):
    c = lax.axis_index("c")
    s = lax.axis_index("s")
    w = s * NC + c
    si = tuple(si_v.at[k] for k in range(P))
    di = tuple(di_v.at[k] for k in range(P))
    rows = tuple(rows_v.at[k] for k in range(P))
    isems = (i0, i1, i2)
    gsems = (g0, g1, g2)

    zeros16 = jnp.zeros((16,), jnp.float32)

    def zbody(i, _):
        for k in range(D // 16):
            rows_v[0, i, pl.ds(k * 16, 16)] = zeros16
        return 0

    lax.fori_loop(0, CHUNK, zbody, 0)
    zbase = s * RPT3
    for t in range(4):
        pltpu.async_copy(rows[0], acc_sh.at[pl.ds(zbase + t * CHUNK, CHUNK)], i0)
    pltpu.async_copy(rows_v.at[0, pl.ds(0, RPT3 - 4 * CHUNK)],
                     acc_sh.at[pl.ds(zbase + 4 * CHUNK, RPT3 - 4 * CHUNK)], i0)
    for t in range(4):
        pltpu.make_async_copy(
            rows[0], acc_sh.at[pl.ds(zbase + t * CHUNK, CHUNK)], i0).wait()
    pltpu.make_async_copy(
        rows_v.at[0, pl.ds(0, RPT3 - 4 * CHUNK)],
        acc_sh.at[pl.ds(zbase + 4 * CHUNK, RPT3 - 4 * CHUNK)], i0).wait()
    plsc.subcore_barrier()

    nch = (NCHUNKS - w + NW - 1) // NW

    def fire_idx(j, p, q):
        cid = jnp.minimum(w + j * NW, NCHUNKS - 1)
        base = pl.multiple_of(cid * CHUNK, CHUNK)
        pltpu.async_copy(src_hbm.at[pl.ds(base, CHUNK)], si[p], isems[p])
        pltpu.async_copy(dst_hbm.at[pl.ds(base, CHUNK)], di[q], isems[p])

    def wait_idx(p, q):
        pltpu.make_async_copy(src_hbm.at[pl.ds(0, CHUNK)], si[p],
                              isems[p]).wait()
        pltpu.make_async_copy(src_hbm.at[pl.ds(0, CHUNK)], di[q],
                              isems[p]).wait()

    def fire_g(p):
        pltpu.async_copy(feat_hbm.at[si[p]], rows[p], gsems[p])

    def wait_g(p):
        pltpu.make_async_copy(feat_hbm.at[si[p]], rows[p], gsems[p]).wait()

    for p in range(P):
        fire_idx(p, p, p)
    wait_idx(0, 0)
    fire_g(0)
    wait_idx(1, 1)
    fire_g(1)

    def tri(t, _):
        for p in range(P):
            j = t * P + p
            p2 = (p + 2) % P

            @pl.when(j + 2 < NSTEP)
            def _():
                wait_idx(p2, p2)
                fire_g(p2)

            wait_g(p)

            @pl.when(j < nch)
            def _():
                pltpu.sync_copy(rows[p], acc_sh.at[di[p]], add=True)

            @pl.when(j + P < NSTEP)
            def _():
                fire_idx(j + P, p, p)

        return 0

    lax.fori_loop(0, NSTEP // P, tri, 0)
    plsc.subcore_barrier()

    off3 = pl.multiple_of(s * RPT3, RPT3)

    @pl.when(c == 0)
    def _():
        pltpu.sync_copy(acc_sh.at[pl.ds(off3, RPT3)],
                        out0_hbm.at[pl.ds(off3, RPT3)])

    @pl.when(c == 1)
    def _():
        pltpu.sync_copy(acc_sh.at[pl.ds(off3, RPT3)],
                        out1_hbm.at[pl.ds(off3, RPT3)])


def _feat_body(x_ref, deg_ref, o_ref):
    norm = lax.rsqrt(jnp.maximum(deg_ref[...], 1.0))
    o_ref[...] = x_ref[...] * norm


def _feat(x, deg_out):
    blk = 1000
    return pl.pallas_call(
        _feat_body,
        grid=(N // blk,),
        in_specs=[
            pl.BlockSpec((blk, D), lambda i: (i, 0)),
            pl.BlockSpec((blk, 1), lambda i: (i, 0)),
        ],
        out_specs=pl.BlockSpec((blk, D), lambda i: (i, 0)),
        out_shape=jax.ShapeDtypeStruct((N, D), jnp.float32),
    )(x, deg_out)


def _final_body(p0_ref, p1_ref, deg_ref, w_ref, b_ref, o_ref):
    norm = lax.rsqrt(jnp.maximum(deg_ref[...], 1.0))
    r = (p0_ref[...] + p1_ref[...]) * norm
    o_ref[...] = (
        jnp.dot(r, w_ref[...], preferred_element_type=jnp.float32) + b_ref[...]
    )


def _final(p0, p1, deg_in, W, b):
    blk = 1000
    return pl.pallas_call(
        _final_body,
        grid=(N // blk,),
        in_specs=[
            pl.BlockSpec((blk, D), lambda i: (i, 0)),
            pl.BlockSpec((blk, D), lambda i: (i, 0)),
            pl.BlockSpec((blk, 1), lambda i: (i, 0)),
            pl.BlockSpec((D, D), lambda i: (0, 0)),
            pl.BlockSpec((1, D), lambda i: (0, 0)),
        ],
        out_specs=pl.BlockSpec((blk, D), lambda i: (i, 0)),
        out_shape=jax.ShapeDtypeStruct((N, D), jnp.float32),
    )(p0, p1, deg_in, W, b)


@jax.jit
def kernel(x, edge_index, W, b):
    src = edge_index[0].astype(jnp.int32)
    dst = edge_index[1].astype(jnp.int32)
    deg_out, deg_in = _deg_kernel(src, dst)
    feat = _feat(x, deg_out[:N].reshape(N, 1))
    p0, p1 = _agg_kernel(feat, src, dst)
    out = _final(p0, p1, deg_in[:N].reshape(N, 1), W, b.reshape(1, D))
    return out

# --- scband reference (transcript-rebuilt; emitter-appended) ---
"""Pipeline reference for scband-gn-31361851195596 (READ-ONLY COPY).

The authoritative reference and input builder live on the scoring server;
editing this copy changes nothing except your own understanding.
"""

import jax, jax.numpy as jnp
import numpy as np

N_NODES = 10000
N_EDGES = 320000
D_IN = 128
D_OUT = 128

def setup_inputs(seed: int = 0) -> dict:
    key = jax.random.key(seed)
    k1, k2, k3, k4 = jax.random.split(key, 4)
    x = jax.random.normal(k1, (N_NODES, D_IN), dtype=jnp.float32)
    edge_index = jax.random.randint(k2, (2, N_EDGES), 0, N_NODES, dtype=jnp.int64)
    # GraphConv linear weight + bias (glorot-like init)
    W = jax.random.normal(k3, (D_IN, D_OUT), dtype=jnp.float32) * (1.0 / np.sqrt(D_IN))
    b = jnp.zeros((D_OUT,), dtype=jnp.float32)
    return {"x": x, "edge_index": edge_index, "W": W, "b": b}

def reference(x, edge_index, W, b):
    # DGL GraphConv with norm='both':
    #   h = D_in^{-1/2} * A^T * (D_out^{-1/2} * x) @ W + b
    src = edge_index[0]
    dst = edge_index[1]
    n = x.shape[0]
    ones = jnp.ones((src.shape[0],), dtype=jnp.float32)
    deg_out = jnp.zeros((n,), dtype=jnp.float32).at[src].add(ones)
    deg_in = jnp.zeros((n,), dtype=jnp.float32).at[dst].add(ones)
    norm_out = jnp.power(jnp.clip(deg_out, 1.0, None), -0.5)
    norm_in = jnp.power(jnp.clip(deg_in, 1.0, None), -0.5)
    # since in_features == out_features, aggregate first then project
    feat = x * norm_out[:, None]
    msg = jnp.take(feat, src, axis=0)                      # gather  (SparseCore)
    agg = jax.ops.segment_sum(msg, dst, num_segments=n)    # scatter-add (SparseCore)
    rst = agg * norm_in[:, None]
    out = rst @ W + b
    return out

if False:  # reference __main__ guard neutralized (emitter)
    inp = setup_inputs()
    out = reference(**inp)
    print(out.shape, out.dtype)

if __name__ == "__main__":
    import jax
    _d = setup_inputs()
    print(jax.jit(kernel)(*tuple(_d.values())))

</pallas_src>

<mosaic_0001>
#map = affine_map<(d0, d1) -> (0)>
module attributes {stable_mosaic.version = 14 : i64} {
  func.func @_deg_kernel(%arg0: i32, %arg1: i32, %arg2: memref<320000xi32, #tpu.memory_space<hbm>>, %arg3: memref<320000xi32, #tpu.memory_space<hbm>>, %arg4: memref<10240xf32, #tpu.memory_space<hbm>>, %arg5: memref<10240xf32, #tpu.memory_space<hbm>>, %arg6: memref<157x128xi32, #tpu.memory_space<vmem>>, %arg7: memref<128xf32, #tpu.memory_space<vmem>>, %arg8: memref<640xf32, #tpu.memory_space<vmem>>, %arg9: memref<10240xf32, #tpu.memory_space<vmem_shared>>, %arg10: memref<!tpu.dma_semaphore, #tpu.memory_space<semaphore_mem>>) attributes {dimension_semantics = [#tpu.dimension_semantics<core_parallel>, #tpu.dimension_semantics<subcore_parallel>], iteration_bounds = array<i64: 2, 16>, scalar_prefetch = 0 : i64, scratch_operands = 5 : i64, tpu.core_type = #tpu.core_type<sc_vector_subcore>, window_params = [{transform_indices = #map}, {transform_indices = #map}, {transform_indices = #map}, {transform_indices = #map}]} {
    %broadcast_in_dim3A = arith.constant 1.000000e+00 : f32
    %broadcast_in_dim3A_0 = vector.broadcast %broadcast_in_dim3A : f32 to vector<16xf32>
    %broadcast_in_dim3A_1 = arith.constant 0.000000e+00 : f32
    %broadcast_in_dim3A_2 = vector.broadcast %broadcast_in_dim3A_1 : f32 to vector<16xf32>
    %swap3A = arith.constant 0 : index
    %swap3A_3 = tpu.vector_load %arg7[%swap3A] {strides = array<i32>} : memref<128xf32, #tpu.memory_space<vmem>>, vector<16xf32>,
    %swap3A_4 = vector.shape_cast %swap3A_3 : vector<16xf32> to vector<16xf32>
    %swap3A_5 = vector.shape_cast %broadcast_in_dim3A_0 : vector<16xf32> to vector<16xf32>
    tpu.vector_store %arg7[%swap3A], %swap3A_5 {strides = array<i32>} : memref<128xf32, #tpu.memory_space<vmem>>, vector<16xf32>,
    %swap3A_6 = arith.constant 16 : index
    %swap3A_7 = tpu.vector_load %arg7[%swap3A_6] {strides = array<i32>} : memref<128xf32, #tpu.memory_space<vmem>>, vector<16xf32>,
    %swap3A_8 = vector.shape_cast %swap3A_7 : vector<16xf32> to vector<16xf32>
    %swap3A_9 = vector.shape_cast %broadcast_in_dim3A_0 : vector<16xf32> to vector<16xf32>
    tpu.vector_store %arg7[%swap3A_6], %swap3A_9 {strides = array<i32>} : memref<128xf32, #tpu.memory_space<vmem>>, vector<16xf32>,
    %swap3A_10 = arith.constant 32 : index
    %swap3A_11 = tpu.vector_load %arg7[%swap3A_10] {strides = array<i32>} : memref<128xf32, #tpu.memory_space<vmem>>, vector<16xf32>,
    %swap3A_12 = vector.shape_cast %swap3A_11 : vector<16xf32> to vector<16xf32>
    %swap3A_13 = vector.shape_cast %broadcast_in_dim3A_0 : vector<16xf32> to vector<16xf32>
    tpu.vector_store %arg7[%swap3A_10], %swap3A_13 {strides = array<i32>} : memref<128xf32, #tpu.memory_space<vmem>>, vector<16xf32>,
    %swap3A_14 = arith.constant 48 : index
    %swap3A_15 = tpu.vector_load %arg7[%swap3A_14] {strides = array<i32>} : memref<128xf32, #tpu.memory_space<vmem>>, vector<16xf32>,
    %swap3A_16 = vector.shape_cast %swap3A_15 : vector<16xf32> to vector<16xf32>
    %swap3A_17 = vector.shape_cast %broadcast_in_dim3A_0 : vector<16xf32> to vector<16xf32>
    tpu.vector_store %arg7[%swap3A_14], %swap3A_17 {strides = array<i32>} : memref<128xf32, #tpu.memory_space<vmem>>, vector<16xf32>,
    %swap3A_18 = arith.constant 64 : index
    %swap3A_19 = tpu.vector_load %arg7[%swap3A_18] {strides = array<i32>} : memref<128xf32, #tpu.memory_space<vmem>>, vector<16xf32>,
    %swap3A_20 = vector.shape_cast %swap3A_19 : vector<16xf32> to vector<16xf32>
    %swap3A_21 = vector.shape_cast %broadcast_in_dim3A_0 : vector<16xf32> to vector<16xf32>
    tpu.vector_store %arg7[%swap3A_18], %swap3A_21 {strides = array<i32>} : memref<128xf32, #tpu.memory_space<vmem>>, vector<16xf32>,
    %swap3A_22 = arith.constant 80 : index
    %swap3A_23 = tpu.vector_load %arg7[%swap3A_22] {strides = array<i32>} : memref<128xf32, #tpu.memory_space<vmem>>, vector<16xf32>,
    %swap3A_24 = vector.shape_cast %swap3A_23 : vector<16xf32> to vector<16xf32>
    %swap3A_25 = vector.shape_cast %broadcast_in_dim3A_0 : vector<16xf32> to vector<16xf32>
    tpu.vector_store %arg7[%swap3A_22], %swap3A_25 {strides = array<i32>} : memref<128xf32, #tpu.memory_space<vmem>>, vector<16xf32>,
    %swap3A_26 = arith.constant 96 : index
    %swap3A_27 = tpu.vector_load %arg7[%swap3A_26] {strides = array<i32>} : memref<128xf32, #tpu.memory_space<vmem>>, vector<16xf32>,
    %swap3A_28 = vector.shape_cast %swap3A_27 : vector<16xf32> to vector<16xf32>
    %swap3A_29 = vector.shape_cast %broadcast_in_dim3A_0 : vector<16xf32> to vector<16xf32>
    tpu.vector_store %arg7[%swap3A_26], %swap3A_29 {strides = array<i32>} : memref<128xf32, #tpu.memory_space<vmem>>, vector<16xf32>,
    %swap3A_30 = arith.constant 112 : index
    %swap3A_31 = tpu.vector_load %arg7[%swap3A_30] {strides = array<i32>} : memref<128xf32, #tpu.memory_space<vmem>>, vector<16xf32>,
    %swap3A_32 = vector.shape_cast %swap3A_31 : vector<16xf32> to vector<16xf32>
    %swap3A_33 = vector.shape_cast %broadcast_in_dim3A_0 : vector<16xf32> to vector<16xf32>
    tpu.vector_store %arg7[%swap3A_30], %swap3A_33 {strides = array<i32>} : memref<128xf32, #tpu.memory_space<vmem>>, vector<16xf32>,
    %scan3A = arith.constant 0 : i32
    %scan3A_34 = arith.constant 0 : i32
    %scan3A_35 = arith.constant 40 : i32
    %scan3A_36 = arith.addi %scan3A_34, %scan3A_35 : i32
    %scan3A_37 = arith.constant 1 : i32
    %scan3A_38 = scf.for %scan3A_89 = %scan3A_34 to %scan3A_36 step %scan3A_37 iter_args(%scan3A_90 = %scan3A) -> (i32)  : i32 {
      %mul3A_91 = arith.constant 16 : i32
      %mul3A_92 = arith.muli %scan3A_89, %mul3A_91 : i32
      %swap3A_93 = arith.index_cast %mul3A_92 : i32 to index
      %swap3A_94 = tpu.vector_load %arg8[%swap3A_93] {strides = array<i32>} : memref<640xf32, #tpu.memory_space<vmem>>, vector<16xf32>,
      %swap3A_95 = vector.shape_cast %swap3A_94 : vector<16xf32> to vector<16xf32>
      %swap3A_96 = vector.shape_cast %broadcast_in_dim3A_2 : vector<16xf32> to vector<16xf32>
      tpu.vector_store %arg8[%swap3A_93], %swap3A_96 {strides = array<i32>} : memref<640xf32, #tpu.memory_space<vmem>>, vector<16xf32>,
      %scan3A_97 = arith.constant 0 : i32
      scf.yield %scan3A_97 : i32
    }
    %scan3A_39 = arith.constant 40 : i32
    %mul3A = arith.constant 640 : i32
    %mul3A_40 = arith.muli %arg1, %mul3A : i32
    "tpu.region"() ({
      %run_scoped3A = tpu.sem_alloc : memref<!tpu.dma_semaphore, #tpu.memory_space<semaphore_mem>>
      %dma_start3A = tpu.memref_slice %arg9[%mul3A_40] : memref<10240xf32, #tpu.memory_space<vmem_shared>> -> memref<640xf32, #tpu.memory_space<vmem_shared>>
      %dma_start3A_89 = tpu.memref_slice %arg9[%mul3A_40] : memref<10240xf32, #tpu.memory_space<vmem_shared>> -> memref<640xf32, #tpu.memory_space<vmem_shared>>
      tpu.enqueue_dma source(%arg8 : memref<640xf32, #tpu.memory_space<vmem>>) target(%dma_start3A_89 : memref<640xf32, #tpu.memory_space<vmem_shared>>) target_semaphore(%run_scoped3A : memref<!tpu.dma_semaphore, #tpu.memory_space<semaphore_mem>>)
      %dma_wait3A = tpu.memref_slice %arg9[%mul3A_40] : memref<10240xf32, #tpu.memory_space<vmem_shared>> -> memref<640xf32, #tpu.memory_space<vmem_shared>>
      %dma_wait3A_90 = tpu.memref_slice %arg9[%mul3A_40] : memref<10240xf32, #tpu.memory_space<vmem_shared>> -> memref<640xf32, #tpu.memory_space<vmem_shared>>
      tpu.wait_dma2 semaphore(%run_scoped3A : memref<!tpu.dma_semaphore, #tpu.memory_space<semaphore_mem>>) src(%arg8 : memref<640xf32, #tpu.memory_space<vmem>>) dst(%dma_wait3A_90 : memref<640xf32, #tpu.memory_space<vmem_shared>>)
      tpu.yield
    }) : () -> ()
    %eq3A = arith.constant 0 : i32
    %eq3A_41 = arith.cmpi eq, %arg0, %eq3A : i32
    %convert_element_type3A = arith.extui %eq3A_41 : i1 to i32
    %cond3A = arith.constant 0 : i32
    %cond3A_42 = arith.cmpi ne, %convert_element_type3A, %cond3A : i32
    scf.if %cond3A_42 {
      %scan3A_89 = arith.constant 0 : i32
      %scan3A_90 = arith.constant 0 : i32
      %scan3A_91 = arith.constant 157 : i32
      %scan3A_92 = arith.addi %scan3A_90, %scan3A_91 : i32
      %scan3A_93 = arith.constant 1 : i32
      %scan3A_94 = scf.for %scan3A_103 = %scan3A_90 to %scan3A_92 step %scan3A_93 iter_args(%scan3A_104 = %scan3A_89) -> (i32)  : i32 {
        %mul3A_105 = arith.constant 16 : i32
        %mul3A_106 = arith.muli %scan3A_103, %mul3A_105 : i32
        %add3A_107 = arith.addi %arg1, %mul3A_106 : i32
        %min3A = arith.constant 2499 : i32
        %min3A_108 = arith.minsi %add3A_107, %min3A : i32
        %mul3A_109 = arith.constant 128 : i32
        %mul3A_110 = arith.muli %min3A_108, %mul3A_109 : i32
        %multiple_of3A_111 = tpu.assume_multiple %mul3A_110, 128 : i32
        %dma_start3A = arith.constant 0 : i32
        %dma_start3A_112 = tpu.memref_slice %arg6[%scan3A_103, %dma_start3A] : memref<157x128xi32, #tpu.memory_space<vmem>> -> memref<1x128xi32, #tpu.memory_space<vmem>>
        %dma_start3A_113 = tpu.memref_squeeze %dma_start3A_112 : memref<1x128xi32, #tpu.memory_space<vmem>> -> memref<128xi32, #tpu.memory_space<vmem>>
        %dma_start3A_114 = tpu.memref_slice %arg2[%multiple_of3A_111] : memref<320000xi32, #tpu.memory_space<hbm>> -> memref<128xi32, #tpu.memory_space<hbm>>
        %dma_start3A_115 = arith.constant 0 : i32
        %dma_start3A_116 = tpu.memref_slice %arg6[%scan3A_103, %dma_start3A_115] : memref<157x128xi32, #tpu.memory_space<vmem>> -> memref<1x128xi32, #tpu.memory_space<vmem>>
        %dma_start3A_117 = tpu.memref_squeeze %dma_start3A_116 : memref<1x128xi32, #tpu.memory_space<vmem>> -> memref<128xi32, #tpu.memory_space<vmem>>
        %dma_start3A_118 = tpu.memref_slice %arg2[%multiple_of3A_111] : memref<320000xi32, #tpu.memory_space<hbm>> -> memref<128xi32, #tpu.memory_space<hbm>>
        tpu.enqueue_dma source(%dma_start3A_118 : memref<128xi32, #tpu.memory_space<hbm>>) target(%dma_start3A_117 : memref<128xi32, #tpu.memory_space<vmem>>) target_semaphore(%arg10 : memref<!tpu.dma_semaphore, #tpu.memory_space<semaphore_mem>>)
        %scan3A_119 = arith.constant 0 : i32
        scf.yield %scan3A_119 : i32
      }
      %scan3A_95 = arith.constant 157 : i32
      %scan3A_96 = arith.constant 0 : i32
      %scan3A_97 = arith.constant 0 : i32
      %scan3A_98 = arith.constant 157 : i32
      %scan3A_99 = arith.addi %scan3A_97, %scan3A_98 : i32
      %scan3A_100 = arith.constant 1 : i32
      %scan3A_101 = scf.for %scan3A_103 = %scan3A_97 to %scan3A_99 step %scan3A_100 iter_args(%scan3A_104 = %scan3A_96) -> (i32)  : i32 {
        %dma_wait3A = arith.constant 0 : i32
        %dma_wait3A_105 = arith.constant 0 : i32
        %dma_wait3A_106 = tpu.memref_slice %arg6[%dma_wait3A, %dma_wait3A_105] : memref<157x128xi32, #tpu.memory_space<vmem>> -> memref<1x128xi32, #tpu.memory_space<vmem>>
        %dma_wait3A_107 = tpu.memref_squeeze %dma_wait3A_106 : memref<1x128xi32, #tpu.memory_space<vmem>> -> memref<128xi32, #tpu.memory_space<vmem>>
        %dma_wait3A_108 = arith.constant 0 : i32
        %dma_wait3A_109 = tpu.memref_slice %arg2[%dma_wait3A_108] : memref<320000xi32, #tpu.memory_space<hbm>> -> memref<128xi32, #tpu.memory_space<hbm>>
        %dma_wait3A_110 = arith.constant 0 : i32
        %dma_wait3A_111 = tpu.memref_slice %arg6[%dma_wait3A, %dma_wait3A_110] : memref<157x128xi32, #tpu.memory_space<vmem>> -> memref<1x128xi32, #tpu.memory_space<vmem>>
        %dma_wait3A_112 = tpu.memref_squeeze %dma_wait3A_111 : memref<1x128xi32, #tpu.memory_space<vmem>> -> memref<128xi32, #tpu.memory_space<vmem>>
        %dma_wait3A_113 = arith.constant 0 : i32
        %dma_wait3A_114 = tpu.memref_slice %arg2[%dma_wait3A_113] : memref<320000xi32, #tpu.memory_space<hbm>> -> memref<128xi32, #tpu.memory_space<hbm>>
        tpu.wait_dma2 semaphore(%arg10 : memref<!tpu.dma_semaphore, #tpu.memory_space<semaphore_mem>>) src(%dma_wait3A_114 : memref<128xi32, #tpu.memory_space<hbm>>) dst(%dma_wait3A_112 : memref<128xi32, #tpu.memory_space<vmem>>)
        %scan3A_115 = arith.constant 0 : i32
        scf.yield %scan3A_115 : i32
      }
      %scan3A_102 = arith.constant 157 : i32
    } else {
    }
    %eq3A_43 = arith.constant 1 : i32
    %eq3A_44 = arith.cmpi eq, %arg0, %eq3A_43 : i32
    %convert_element_type3A_45 = arith.extui %eq3A_44 : i1 to i32
    %cond3A_46 = arith.constant 0 : i32
    %cond3A_47 = arith.cmpi ne, %convert_element_type3A_45, %cond3A_46 : i32
    scf.if %cond3A_47 {
      %scan3A_89 = arith.constant 0 : i32
      %scan3A_90 = arith.constant 0 : i32
      %scan3A_91 = arith.constant 157 : i32
      %scan3A_92 = arith.addi %scan3A_90, %scan3A_91 : i32
      %scan3A_93 = arith.constant 1 : i32
      %scan3A_94 = scf.for %scan3A_103 = %scan3A_90 to %scan3A_92 step %scan3A_93 iter_args(%scan3A_104 = %scan3A_89) -> (i32)  : i32 {
        %mul3A_105 = arith.constant 16 : i32
        %mul3A_106 = arith.muli %scan3A_103, %mul3A_105 : i32
        %add3A_107 = arith.addi %arg1, %mul3A_106 : i32
        %min3A = arith.constant 2499 : i32
        %min3A_108 = arith.minsi %add3A_107, %min3A : i32
        %mul3A_109 = arith.constant 128 : i32
        %mul3A_110 = arith.muli %min3A_108, %mul3A_109 : i32
        %multiple_of3A_111 = tpu.assume_multiple %mul3A_110, 128 : i32
        %dma_start3A = arith.constant 0 : i32
        %dma_start3A_112 = tpu.memref_slice %arg6[%scan3A_103, %dma_start3A] : memref<157x128xi32, #tpu.memory_space<vmem>> -> memref<1x128xi32, #tpu.memory_space<vmem>>
        %dma_start3A_113 = tpu.memref_squeeze %dma_start3A_112 : memref<1x128xi32, #tpu.memory_space<vmem>> -> memref<128xi32, #tpu.memory_space<vmem>>
        %dma_start3A_114 = tpu.memref_slice %arg3[%multiple_of3A_111] : memref<320000xi32, #tpu.memory_space<hbm>> -> memref<128xi32, #tpu.memory_space<hbm>>
        %dma_start3A_115 = arith.constant 0 : i32
        %dma_start3A_116 = tpu.memref_slice %arg6[%scan3A_103, %dma_start3A_115] : memref<157x128xi32, #tpu.memory_space<vmem>> -> memref<1x128xi32, #tpu.memory_space<vmem>>
        %dma_start3A_117 = tpu.memref_squeeze %dma_start3A_116 : memref<1x128xi32, #tpu.memory_space<vmem>> -> memref<128xi32, #tpu.memory_space<vmem>>
        %dma_start3A_118 = tpu.memref_slice %arg3[%multiple_of3A_111] : memref<320000xi32, #tpu.memory_space<hbm>> -> memref<128xi32, #tpu.memory_space<hbm>>
        tpu.enqueue_dma source(%dma_start3A_118 : memref<128xi32, #tpu.memory_space<hbm>>) target(%dma_start3A_117 : memref<128xi32, #tpu.memory_space<vmem>>) target_semaphore(%arg10 : memref<!tpu.dma_semaphore, #tpu.memory_space<semaphore_mem>>)
        %scan3A_119 = arith.constant 0 : i32
        scf.yield %scan3A_119 : i32
      }
      %scan3A_95 = arith.constant 157 : i32
      %scan3A_96 = arith.constant 0 : i32
      %scan3A_97 = arith.constant 0 : i32
      %scan3A_98 = arith.constant 157 : i32
      %scan3A_99 = arith.addi %scan3A_97, %scan3A_98 : i32
      %scan3A_100 = arith.constant 1 : i32
      %scan3A_101 = scf.for %scan3A_103 = %scan3A_97 to %scan3A_99 step %scan3A_100 iter_args(%scan3A_104 = %scan3A_96) -> (i32)  : i32 {
        %dma_wait3A = arith.constant 0 : i32
        %dma_wait3A_105 = arith.constant 0 : i32
        %dma_wait3A_106 = tpu.memref_slice %arg6[%dma_wait3A, %dma_wait3A_105] : memref<157x128xi32, #tpu.memory_space<vmem>> -> memref<1x128xi32, #tpu.memory_space<vmem>>
        %dma_wait3A_107 = tpu.memref_squeeze %dma_wait3A_106 : memref<1x128xi32, #tpu.memory_space<vmem>> -> memref<128xi32, #tpu.memory_space<vmem>>
        %dma_wait3A_108 = arith.constant 0 : i32
        %dma_wait3A_109 = tpu.memref_slice %arg3[%dma_wait3A_108] : memref<320000xi32, #tpu.memory_space<hbm>> -> memref<128xi32, #tpu.memory_space<hbm>>
        %dma_wait3A_110 = arith.constant 0 : i32
        %dma_wait3A_111 = tpu.memref_slice %arg6[%dma_wait3A, %dma_wait3A_110] : memref<157x128xi32, #tpu.memory_space<vmem>> -> memref<1x128xi32, #tpu.memory_space<vmem>>
        %dma_wait3A_112 = tpu.memref_squeeze %dma_wait3A_111 : memref<1x128xi32, #tpu.memory_space<vmem>> -> memref<128xi32, #tpu.memory_space<vmem>>
        %dma_wait3A_113 = arith.constant 0 : i32
        %dma_wait3A_114 = tpu.memref_slice %arg3[%dma_wait3A_113] : memref<320000xi32, #tpu.memory_space<hbm>> -> memref<128xi32, #tpu.memory_space<hbm>>
        tpu.wait_dma2 semaphore(%arg10 : memref<!tpu.dma_semaphore, #tpu.memory_space<semaphore_mem>>) src(%dma_wait3A_114 : memref<128xi32, #tpu.memory_space<hbm>>) dst(%dma_wait3A_112 : memref<128xi32, #tpu.memory_space<vmem>>)
        %scan3A_115 = arith.constant 0 : i32
        scf.yield %scan3A_115 : i32
      }
      %scan3A_102 = arith.constant 157 : i32
    } else {
    }
    %barrier3A = arith.constant 0 : index
    tpu.barrier barrier_id(%barrier3A)
    %sub3A = arith.constant 2500 : i32
    %sub3A_48 = arith.subi %sub3A, %arg1 : i32
    %add3A = arith.constant 16 : i32
    %add3A_49 = arith.addi %sub3A_48, %add3A : i32
    %sub3A_50 = arith.constant 1 : i32
    %sub3A_51 = arith.subi %add3A_49, %sub3A_50 : i32
    %jit3A = arith.constant 16 : i32
    %div3A = arith.divsi %sub3A_51, %jit3A : i32
    %sign3A = arith.constant 0 : i32
    %sign3A_52 = arith.cmpi sgt, %sub3A_51, %sign3A : i32
    %sign3A_53 = arith.extui %sign3A_52 : i1 to i32
    %sign3A_54 = arith.constant 0 : i32
    %sign3A_55 = arith.cmpi slt, %sub3A_51, %sign3A_54 : i32
    %sign3A_56 = arith.extui %sign3A_55 : i1 to i32
    %sign3A_57 = arith.subi %sign3A_53, %sign3A_56 : i32
    %sign3A_58 = arith.constant 0 : i32
    %sign3A_59 = arith.cmpi sgt, %jit3A, %sign3A_58 : i32
    %sign3A_60 = arith.extui %sign3A_59 : i1 to i32
    %sign3A_61 = arith.constant 0 : i32
    %sign3A_62 = arith.cmpi slt, %jit3A, %sign3A_61 : i32
    %sign3A_63 = arith.extui %sign3A_62 : i1 to i32
    %sign3A_64 = arith.subi %sign3A_60, %sign3A_63 : i32
    %ne3A = arith.cmpi ne, %sign3A_57, %sign3A_64 : i32
    %rem3A = arith.remsi %sub3A_51, %jit3A : i32
    %ne3A_65 = arith.constant 0 : i32
    %ne3A_66 = arith.cmpi ne, %rem3A, %ne3A_65 : i32
    %and3A = arith.andi %ne3A, %ne3A_66 : i1
    %sub3A_67 = arith.constant 1 : i32
    %sub3A_68 = arith.subi %div3A, %sub3A_67 : i32
    %select_n3A = arith.select %and3A, %sub3A_68, %div3A : i32
    %scan3A_69 = arith.constant 0 : i32
    %scan3A_70 = arith.constant 0 : i32
    %scan3A_71 = arith.constant 157 : i32
    %scan3A_72 = arith.addi %scan3A_70, %scan3A_71 : i32
    %scan3A_73 = arith.constant 1 : i32
    %scan3A_74 = scf.for %scan3A_89 = %scan3A_70 to %scan3A_72 step %scan3A_73 iter_args(%scan3A_90 = %scan3A_69) -> (i32)  : i32 {
      %lt3A = arith.cmpi slt, %scan3A_89, %select_n3A : i32
      %convert_element_type3A_91 = arith.extui %lt3A : i1 to i32
      %cond3A_92 = arith.constant 0 : i32
      %cond3A_93 = arith.cmpi ne, %convert_element_type3A_91, %cond3A_92 : i32
      scf.if %cond3A_93 {
        "tpu.region"() ({
          %run_scoped3A = tpu.sem_alloc : memref<!tpu.dma_semaphore, #tpu.memory_space<semaphore_mem>>
          %dma_start3A = arith.constant 0 : i32
          %dma_start3A_95 = tpu.memref_slice %arg6[%scan3A_89, %dma_start3A] : memref<157x128xi32, #tpu.memory_space<vmem>> -> memref<1x128xi32, #tpu.memory_space<vmem>>
          %dma_start3A_96 = tpu.memref_squeeze %dma_start3A_95 : memref<1x128xi32, #tpu.memory_space<vmem>> -> memref<128xi32, #tpu.memory_space<vmem>>
          %dma_start3A_97 = arith.constant 0 : i32
          %dma_start3A_98 = tpu.memref_slice %arg9[%dma_start3A_97] : memref<10240xf32, #tpu.memory_space<vmem_shared>> -> memref<10240xf32, #tpu.memory_space<vmem_shared>>
          tpu.enqueue_indirect_dma source(%arg7 : memref<128xf32, #tpu.memory_space<vmem>>) target(%dma_start3A_98 : memref<10240xf32, #tpu.memory_space<vmem_shared>>) offsets(%dma_start3A_96 : memref<128xi32, #tpu.memory_space<vmem>>) semaphore(%run_scoped3A : memref<!tpu.dma_semaphore, #tpu.memory_space<semaphore_mem>>) {add = true}
          %dma_wait3A = arith.constant 0 : i32
          %dma_wait3A_99 = tpu.memref_slice %arg6[%scan3A_89, %dma_wait3A] : memref<157x128xi32, #tpu.memory_space<vmem>> -> memref<1x128xi32, #tpu.memory_space<vmem>>
          %dma_wait3A_100 = tpu.memref_squeeze %dma_wait3A_99 : memref<1x128xi32, #tpu.memory_space<vmem>> -> memref<128xi32, #tpu.memory_space<vmem>>
          %dma_wait3A_101 = arith.constant 0 : i32
          %dma_wait3A_102 = tpu.memref_slice %arg9[%dma_wait3A_101] : memref<10240xf32, #tpu.memory_space<vmem_shared>> -> memref<10240xf32, #tpu.memory_space<vmem_shared>>
          tpu.wait_indirect_dma semaphore(%run_scoped3A : memref<!tpu.dma_semaphore, #tpu.memory_space<semaphore_mem>>) src(%arg7 : memref<128xf32, #tpu.memory_space<vmem>>) dst(%dma_wait3A_102 : memref<10240xf32, #tpu.memory_space<vmem_shared>>)
          tpu.yield
        }) : () -> ()
      } else {
      }
      %scan3A_94 = arith.constant 0 : i32
      scf.yield %scan3A_94 : i32
    }
    %scan3A_75 = arith.constant 157 : i32
    %barrier3A_76 = arith.constant 0 : index
    tpu.barrier barrier_id(%barrier3A_76)
    %mul3A_77 = arith.constant 640 : i32
    %mul3A_78 = arith.muli %arg1, %mul3A_77 : i32
    %multiple_of3A = tpu.assume_multiple %mul3A_78, 640 : i32
    "tpu.region"() ({
      %run_scoped3A = tpu.sem_alloc : memref<!tpu.dma_semaphore, #tpu.memory_space<semaphore_mem>>
      %dma_start3A = tpu.memref_slice %arg9[%multiple_of3A] : memref<10240xf32, #tpu.memory_space<vmem_shared>> -> memref<640xf32, #tpu.memory_space<vmem_shared>>
      %dma_start3A_89 = tpu.memref_slice %arg9[%multiple_of3A] : memref<10240xf32, #tpu.memory_space<vmem_shared>> -> memref<640xf32, #tpu.memory_space<vmem_shared>>
      tpu.enqueue_dma source(%dma_start3A_89 : memref<640xf32, #tpu.memory_space<vmem_shared>>) target(%arg8 : memref<640xf32, #tpu.memory_space<vmem>>) target_semaphore(%run_scoped3A : memref<!tpu.dma_semaphore, #tpu.memory_space<semaphore_mem>>)
      %dma_wait3A = tpu.memref_slice %arg9[%multiple_of3A] : memref<10240xf32, #tpu.memory_space<vmem_shared>> -> memref<640xf32, #tpu.memory_space<vmem_shared>>
      %dma_wait3A_90 = tpu.memref_slice %arg9[%multiple_of3A] : memref<10240xf32, #tpu.memory_space<vmem_shared>> -> memref<640xf32, #tpu.memory_space<vmem_shared>>
      tpu.wait_dma2 semaphore(%run_scoped3A : memref<!tpu.dma_semaphore, #tpu.memory_space<semaphore_mem>>) src(%dma_wait3A_90 : memref<640xf32, #tpu.memory_space<vmem_shared>>) dst(%arg8 : memref<640xf32, #tpu.memory_space<vmem>>)
      tpu.yield
    }) : () -> ()
    %eq3A_79 = arith.constant 0 : i32
    %eq3A_80 = arith.cmpi eq, %arg0, %eq3A_79 : i32
    %convert_element_type3A_81 = arith.extui %eq3A_80 : i1 to i32
    %cond3A_82 = arith.constant 0 : i32
    %cond3A_83 = arith.cmpi ne, %convert_element_type3A_81, %cond3A_82 : i32
    scf.if %cond3A_83 {
      "tpu.region"() ({
        %run_scoped3A = tpu.sem_alloc : memref<!tpu.dma_semaphore, #tpu.memory_space<semaphore_mem>>
        %dma_start3A = tpu.memref_slice %arg4[%multiple_of3A] : memref<10240xf32, #tpu.memory_space<hbm>> -> memref<640xf32, #tpu.memory_space<hbm>>
        %dma_start3A_89 = tpu.memref_slice %arg4[%multiple_of3A] : memref<10240xf32, #tpu.memory_space<hbm>> -> memref<640xf32, #tpu.memory_space<hbm>>
        tpu.enqueue_dma source(%arg8 : memref<640xf32, #tpu.memory_space<vmem>>) target(%dma_start3A_89 : memref<640xf32, #tpu.memory_space<hbm>>) target_semaphore(%run_scoped3A : memref<!tpu.dma_semaphore, #tpu.memory_space<semaphore_mem>>)
        %dma_wait3A = tpu.memref_slice %arg4[%multiple_of3A] : memref<10240xf32, #tpu.memory_space<hbm>> -> memref<640xf32, #tpu.memory_space<hbm>>
        %dma_wait3A_90 = tpu.memref_slice %arg4[%multiple_of3A] : memref<10240xf32, #tpu.memory_space<hbm>> -> memref<640xf32, #tpu.memory_space<hbm>>
        tpu.wait_dma2 semaphore(%run_scoped3A : memref<!tpu.dma_semaphore, #tpu.memory_space<semaphore_mem>>) src(%arg8 : memref<640xf32, #tpu.memory_space<vmem>>) dst(%dma_wait3A_90 : memref<640xf32, #tpu.memory_space<hbm>>)
        tpu.yield
      }) : () -> ()
    } else {
    }
    %eq3A_84 = arith.constant 1 : i32
    %eq3A_85 = arith.cmpi eq, %arg0, %eq3A_84 : i32
    %convert_element_type3A_86 = arith.extui %eq3A_85 : i1 to i32
    %cond3A_87 = arith.constant 0 : i32
    %cond3A_88 = arith.cmpi ne, %convert_element_type3A_86, %cond3A_87 : i32
    scf.if %cond3A_88 {
      "tpu.region"() ({
        %run_scoped3A = tpu.sem_alloc : memref<!tpu.dma_semaphore, #tpu.memory_space<semaphore_mem>>
        %dma_start3A = tpu.memref_slice %arg5[%multiple_of3A] : memref<10240xf32, #tpu.memory_space<hbm>> -> memref<640xf32, #tpu.memory_space<hbm>>
        %dma_start3A_89 = tpu.memref_slice %arg5[%multiple_of3A] : memref<10240xf32, #tpu.memory_space<hbm>> -> memref<640xf32, #tpu.memory_space<hbm>>
        tpu.enqueue_dma source(%arg8 : memref<640xf32, #tpu.memory_space<vmem>>) target(%dma_start3A_89 : memref<640xf32, #tpu.memory_space<hbm>>) target_semaphore(%run_scoped3A : memref<!tpu.dma_semaphore, #tpu.memory_space<semaphore_mem>>)
        %dma_wait3A = tpu.memref_slice %arg5[%multiple_of3A] : memref<10240xf32, #tpu.memory_space<hbm>> -> memref<640xf32, #tpu.memory_space<hbm>>
        %dma_wait3A_90 = tpu.memref_slice %arg5[%multiple_of3A] : memref<10240xf32, #tpu.memory_space<hbm>> -> memref<640xf32, #tpu.memory_space<hbm>>
        tpu.wait_dma2 semaphore(%run_scoped3A : memref<!tpu.dma_semaphore, #tpu.memory_space<semaphore_mem>>) src(%arg8 : memref<640xf32, #tpu.memory_space<vmem>>) dst(%dma_wait3A_90 : memref<640xf32, #tpu.memory_space<hbm>>)
        tpu.yield
      }) : () -> ()
    } else {
    }
    return
  }
}

#map = affine_map<(d0, d1) -> (0, 0)>
#map1 = affine_map<(d0, d1) -> (0)>
module attributes {stable_mosaic.version = 14 : i64} {
  func.func @_agg_kernel(%arg0: i32, %arg1: i32, %arg2: memref<10000x128xf32, #tpu.memory_space<hbm>>, %arg3: memref<320000xi32, #tpu.memory_space<hbm>>, %arg4: memref<320000xi32, #tpu.memory_space<hbm>>, %arg5: memref<10112x128xf32, #tpu.memory_space<hbm>>, %arg6: memref<10112x128xf32, #tpu.memory_space<hbm>>, %arg7: memref<3x128xi32, #tpu.memory_space<vmem>>, %arg8: memref<3x128xi32, #tpu.memory_space<vmem>>, %arg9: memref<3x128x128xf32, #tpu.memory_space<vmem>>, %arg10: memref<10112x128xf32, #tpu.memory_space<vmem_shared>>, %arg11: memref<!tpu.dma_semaphore, #tpu.memory_space<semaphore_mem>>, %arg12: memref<!tpu.dma_semaphore, #tpu.memory_space<semaphore_mem>>, %arg13: memref<!tpu.dma_semaphore, #tpu.memory_space<semaphore_mem>>, %arg14: memref<!tpu.dma_semaphore, #tpu.memory_space<semaphore_mem>>, %arg15: memref<!tpu.dma_semaphore, #tpu.memory_space<semaphore_mem>>, %arg16: memref<!tpu.dma_semaphore, #tpu.memory_space<semaphore_mem>>) attributes {dimension_semantics = [#tpu.dimension_semantics<core_parallel>, #tpu.dimension_semantics<subcore_parallel>], iteration_bounds = array<i64: 2, 16>, scalar_prefetch = 0 : i64, scratch_operands = 10 : i64, tpu.core_type = #tpu.core_type<sc_vector_subcore>, window_params = [{transform_indices = #map}, {transform_indices = #map1}, {transform_indices = #map1}, {transform_indices = #map}, {transform_indices = #map}]} {
    %mul3A = arith.constant 2 : i32
    %mul3A_0 = arith.muli %arg1, %mul3A : i32
    %add3A = arith.addi %mul3A_0, %arg0 : i32
    %broadcast_in_dim3A = arith.constant 0.000000e+00 : f32
    %broadcast_in_dim3A_1 = vector.broadcast %broadcast_in_dim3A : f32 to vector<16xf32>
    %scan3A = arith.constant 0 : i32
    %scan3A_2 = arith.constant 0 : i32
    %scan3A_3 = arith.constant 128 : i32
    %scan3A_4 = arith.addi %scan3A_2, %scan3A_3 : i32
    %scan3A_5 = arith.constant 1 : i32
    %scan3A_6 = scf.for %scan3A_348 = %scan3A_2 to %scan3A_4 step %scan3A_5 iter_args(%scan3A_349 = %scan3A) -> (i32)  : i32 {
      %swap3A = arith.constant 0 : i32
      %swap3A_350 = arith.index_cast %swap3A : i32 to index
      %swap3A_351 = arith.index_cast %scan3A_348 : i32 to index
      %swap3A_352 = arith.constant 0 : index
      %swap3A_353 = tpu.vector_load %arg9[%swap3A_350, %swap3A_351, %swap3A_352] {strides = array<i32>} : memref<3x128x128xf32, #tpu.memory_space<vmem>>, vector<1x1x16xf32>,
      %swap3A_354 = vector.shape_cast %swap3A_353 : vector<1x1x16xf32> to vector<16xf32>
      %swap3A_355 = vector.shape_cast %broadcast_in_dim3A_1 : vector<16xf32> to vector<1x1x16xf32>
      tpu.vector_store %arg9[%swap3A_350, %swap3A_351, %swap3A_352], %swap3A_355 {strides = array<i32>} : memref<3x128x128xf32, #tpu.memory_space<vmem>>, vector<1x1x16xf32>,
      %swap3A_356 = arith.constant 0 : i32
      %swap3A_357 = arith.index_cast %swap3A_356 : i32 to index
      %swap3A_358 = arith.index_cast %scan3A_348 : i32 to index
      %swap3A_359 = arith.constant 16 : index
      %swap3A_360 = tpu.vector_load %arg9[%swap3A_357, %swap3A_358, %swap3A_359] {strides = array<i32>} : memref<3x128x128xf32, #tpu.memory_space<vmem>>, vector<1x1x16xf32>,
      %swap3A_361 = vector.shape_cast %swap3A_360 : vector<1x1x16xf32> to vector<16xf32>
      %swap3A_362 = vector.shape_cast %broadcast_in_dim3A_1 : vector<16xf32> to vector<1x1x16xf32>
      tpu.vector_store %arg9[%swap3A_357, %swap3A_358, %swap3A_359], %swap3A_362 {strides = array<i32>} : memref<3x128x128xf32, #tpu.memory_space<vmem>>, vector<1x1x16xf32>,
      %swap3A_363 = arith.constant 0 : i32
      %swap3A_364 = arith.index_cast %swap3A_363 : i32 to index
      %swap3A_365 = arith.index_cast %scan3A_348 : i32 to index
      %swap3A_366 = arith.constant 32 : index
      %swap3A_367 = tpu.vector_load %arg9[%swap3A_364, %swap3A_365, %swap3A_366] {strides = array<i32>} : memref<3x128x128xf32, #tpu.memory_space<vmem>>, vector<1x1x16xf32>,
      %swap3A_368 = vector.shape_cast %swap3A_367 : vector<1x1x16xf32> to vector<16xf32>
      %swap3A_369 = vector.shape_cast %broadcast_in_dim3A_1 : vector<16xf32> to vector<1x1x16xf32>
      tpu.vector_store %arg9[%swap3A_364, %swap3A_365, %swap3A_366], %swap3A_369 {strides = array<i32>} : memref<3x128x128xf32, #tpu.memory_space<vmem>>, vector<1x1x16xf32>,
      %swap3A_370 = arith.constant 0 : i32
      %swap3A_371 = arith.index_cast %swap3A_370 : i32 to index
      %swap3A_372 = arith.index_cast %scan3A_348 : i32 to index
      %swap3A_373 = arith.constant 48 : index
      %swap3A_374 = tpu.vector_load %arg9[%swap3A_371, %swap3A_372, %swap3A_373] {strides = array<i32>} : memref<3x128x128xf32, #tpu.memory_space<vmem>>, vector<1x1x16xf32>,
      %swap3A_375 = vector.shape_cast %swap3A_374 : vector<1x1x16xf32> to vector<16xf32>
      %swap3A_376 = vector.shape_cast %broadcast_in_dim3A_1 : vector<16xf32> to vector<1x1x16xf32>
      tpu.vector_store %arg9[%swap3A_371, %swap3A_372, %swap3A_373], %swap3A_376 {strides = array<i32>} : memref<3x128x128xf32, #tpu.memory_space<vmem>>, vector<1x1x16xf32>,
      %swap3A_377 = arith.constant 0 : i32
      %swap3A_378 = arith.index_cast %swap3A_377 : i32 to index
      %swap3A_379 = arith.index_cast %scan3A_348 : i32 to index
      %swap3A_380 = arith.constant 64 : index
      %swap3A_381 = tpu.vector_load %arg9[%swap3A_378, %swap3A_379, %swap3A_380] {strides = array<i32>} : memref<3x128x128xf32, #tpu.memory_space<vmem>>, vector<1x1x16xf32>,
      %swap3A_382 = vector.shape_cast %swap3A_381 : vector<1x1x16xf32> to vector<16xf32>
      %swap3A_383 = vector.shape_cast %broadcast_in_dim3A_1 : vector<16xf32> to vector<1x1x16xf32>
      tpu.vector_store %arg9[%swap3A_378, %swap3A_379, %swap3A_380], %swap3A_383 {strides = array<i32>} : memref<3x128x128xf32, #tpu.memory_space<vmem>>, vector<1x1x16xf32>,
      %swap3A_384 = arith.constant 0 : i32
      %swap3A_385 = arith.index_cast %swap3A_384 : i32 to index
      %swap3A_386 = arith.index_cast %scan3A_348 : i32 to index
      %swap3A_387 = arith.constant 80 : index
      %swap3A_388 = tpu.vector_load %arg9[%swap3A_385, %swap3A_386, %swap3A_387] {strides = array<i32>} : memref<3x128x128xf32, #tpu.memory_space<vmem>>, vector<1x1x16xf32>,
      %swap3A_389 = vector.shape_cast %swap3A_388 : vector<1x1x16xf32> to vector<16xf32>
      %swap3A_390 = vector.shape_cast %broadcast_in_dim3A_1 : vector<16xf32> to vector<1x1x16xf32>
      tpu.vector_store %arg9[%swap3A_385, %swap3A_386, %swap3A_387], %swap3A_390 {strides = array<i32>} : memref<3x128x128xf32, #tpu.memory_space<vmem>>, vector<1x1x16xf32>,
      %swap3A_391 = arith.constant 0 : i32
      %swap3A_392 = arith.index_cast %swap3A_391 : i32 to index
      %swap3A_393 = arith.index_cast %scan3A_348 : i32 to index
      %swap3A_394 = arith.constant 96 : index
      %swap3A_395 = tpu.vector_load %arg9[%swap3A_392, %swap3A_393, %swap3A_394] {strides = array<i32>} : memref<3x128x128xf32, #tpu.memory_space<vmem>>, vector<1x1x16xf32>,
      %swap3A_396 = vector.shape_cast %swap3A_395 : vector<1x1x16xf32> to vector<16xf32>
      %swap3A_397 = vector.shape_cast %broadcast_in_dim3A_1 : vector<16xf32> to vector<1x1x16xf32>
      tpu.vector_store %arg9[%swap3A_392, %swap3A_393, %swap3A_394], %swap3A_397 {strides = array<i32>} : memref<3x128x128xf32, #tpu.memory_space<vmem>>, vector<1x1x16xf32>,
      %swap3A_398 = arith.constant 0 : i32
      %swap3A_399 = arith.index_cast %swap3A_398 : i32 to index
      %swap3A_400 = arith.index_cast %scan3A_348 : i32 to index
      %swap3A_401 = arith.constant 112 : index
      %swap3A_402 = tpu.vector_load %arg9[%swap3A_399, %swap3A_400, %swap3A_401] {strides = array<i32>} : memref<3x128x128xf32, #tpu.memory_space<vmem>>, vector<1x1x16xf32>,
      %swap3A_403 = vector.shape_cast %swap3A_402 : vector<1x1x16xf32> to vector<16xf32>
      %swap3A_404 = vector.shape_cast %broadcast_in_dim3A_1 : vector<16xf32> to vector<1x1x16xf32>
      tpu.vector_store %arg9[%swap3A_399, %swap3A_400, %swap3A_401], %swap3A_404 {strides = array<i32>} : memref<3x128x128xf32, #tpu.memory_space<vmem>>, vector<1x1x16xf32>,
      %scan3A_405 = arith.constant 0 : i32
      scf.yield %scan3A_405 : i32
    }
    %scan3A_7 = arith.constant 128 : i32
    %mul3A_8 = arith.constant 632 : i32
    %mul3A_9 = arith.muli %arg1, %mul3A_8 : i32
    %add3A_10 = arith.constant 0 : i32
    %add3A_11 = arith.addi %mul3A_9, %add3A_10 : i32
    %dma_start3A = arith.constant 0 : i32
    %dma_start3A_12 = arith.constant 0 : i32
    %dma_start3A_13 = arith.constant 0 : i32
    %dma_start3A_14 = tpu.memref_slice %arg9[%dma_start3A, %dma_start3A_12, %dma_start3A_13] : memref<3x128x128xf32, #tpu.memory_space<vmem>> -> memref<1x128x128xf32, #tpu.memory_space<vmem>>
    %dma_start3A_15 = tpu.memref_squeeze %dma_start3A_14 : memref<1x128x128xf32, #tpu.memory_space<vmem>> -> memref<128x128xf32, #tpu.memory_space<vmem>>
    %dma_start3A_16 = arith.constant 0 : i32
    %dma_start3A_17 = tpu.memref_slice %arg10[%add3A_11, %dma_start3A_16] : memref<10112x128xf32, #tpu.memory_space<vmem_shared>> -> memref<128x128xf32, #tpu.memory_space<vmem_shared>>
    %dma_start3A_18 = arith.constant 0 : i32
    %dma_start3A_19 = tpu.memref_slice %arg10[%add3A_11, %dma_start3A_18] : memref<10112x128xf32, #tpu.memory_space<vmem_shared>> -> memref<128x128xf32, #tpu.memory_space<vmem_shared>>
    %dma_start3A_20 = arith.constant 0 : i32
    %dma_start3A_21 = arith.constant 0 : i32
    %dma_start3A_22 = tpu.memref_slice %arg9[%dma_start3A, %dma_start3A_20, %dma_start3A_21] : memref<3x128x128xf32, #tpu.memory_space<vmem>> -> memref<1x128x128xf32, #tpu.memory_space<vmem>>
    %dma_start3A_23 = tpu.memref_squeeze %dma_start3A_22 : memref<1x128x128xf32, #tpu.memory_space<vmem>> -> memref<128x128xf32, #tpu.memory_space<vmem>>
    tpu.enqueue_dma source(%dma_start3A_23 : memref<128x128xf32, #tpu.memory_space<vmem>>) target(%dma_start3A_19 : memref<128x128xf32, #tpu.memory_space<vmem_shared>>) target_semaphore(%arg11 : memref<!tpu.dma_semaphore, #tpu.memory_space<semaphore_mem>>)
    %add3A_24 = arith.constant 128 : i32
    %add3A_25 = arith.addi %mul3A_9, %add3A_24 : i32
    %dma_start3A_26 = arith.constant 0 : i32
    %dma_start3A_27 = arith.constant 0 : i32
    %dma_start3A_28 = arith.constant 0 : i32
    %dma_start3A_29 = tpu.memref_slice %arg9[%dma_start3A_26, %dma_start3A_27, %dma_start3A_28] : memref<3x128x128xf32, #tpu.memory_space<vmem>> -> memref<1x128x128xf32, #tpu.memory_space<vmem>>
    %dma_start3A_30 = tpu.memref_squeeze %dma_start3A_29 : memref<1x128x128xf32, #tpu.memory_space<vmem>> -> memref<128x128xf32, #tpu.memory_space<vmem>>
    %dma_start3A_31 = arith.constant 0 : i32
    %dma_start3A_32 = tpu.memref_slice %arg10[%add3A_25, %dma_start3A_31] : memref<10112x128xf32, #tpu.memory_space<vmem_shared>> -> memref<128x128xf32, #tpu.memory_space<vmem_shared>>
    %dma_start3A_33 = arith.constant 0 : i32
    %dma_start3A_34 = tpu.memref_slice %arg10[%add3A_25, %dma_start3A_33] : memref<10112x128xf32, #tpu.memory_space<vmem_shared>> -> memref<128x128xf32, #tpu.memory_space<vmem_shared>>
    %dma_start3A_35 = arith.constant 0 : i32
    %dma_start3A_36 = arith.constant 0 : i32
    %dma_start3A_37 = tpu.memref_slice %arg9[%dma_start3A_26, %dma_start3A_35, %dma_start3A_36] : memref<3x128x128xf32, #tpu.memory_space<vmem>> -> memref<1x128x128xf32, #tpu.memory_space<vmem>>
    %dma_start3A_38 = tpu.memref_squeeze %dma_start3A_37 : memref<1x128x128xf32, #tpu.memory_space<vmem>> -> memref<128x128xf32, #tpu.memory_space<vmem>>
    tpu.enqueue_dma source(%dma_start3A_38 : memref<128x128xf32, #tpu.memory_space<vmem>>) target(%dma_start3A_34 : memref<128x128xf32, #tpu.memory_space<vmem_shared>>) target_semaphore(%arg11 : memref<!tpu.dma_semaphore, #tpu.memory_space<semaphore_mem>>)
    %add3A_39 = arith.constant 256 : i32
    %add3A_40 = arith.addi %mul3A_9, %add3A_39 : i32
    %dma_start3A_41 = arith.constant 0 : i32
    %dma_start3A_42 = arith.constant 0 : i32
    %dma_start3A_43 = arith.constant 0 : i32
    %dma_start3A_44 = tpu.memref_slice %arg9[%dma_start3A_41, %dma_start3A_42, %dma_start3A_43] : memref<3x128x128xf32, #tpu.memory_space<vmem>> -> memref<1x128x128xf32, #tpu.memory_space<vmem>>
    %dma_start3A_45 = tpu.memref_squeeze %dma_start3A_44 : memref<1x128x128xf32, #tpu.memory_space<vmem>> -> memref<128x128xf32, #tpu.memory_space<vmem>>
    %dma_start3A_46 = arith.constant 0 : i32
    %dma_start3A_47 = tpu.memref_slice %arg10[%add3A_40, %dma_start3A_46] : memref<10112x128xf32, #tpu.memory_space<vmem_shared>> -> memref<128x128xf32, #tpu.memory_space<vmem_shared>>
    %dma_start3A_48 = arith.constant 0 : i32
    %dma_start3A_49 = tpu.memref_slice %arg10[%add3A_40, %dma_start3A_48] : memref<10112x128xf32, #tpu.memory_space<vmem_shared>> -> memref<128x128xf32, #tpu.memory_space<vmem_shared>>
    %dma_start3A_50 = arith.constant 0 : i32
    %dma_start3A_51 = arith.constant 0 : i32
    %dma_start3A_52 = tpu.memref_slice %arg9[%dma_start3A_41, %dma_start3A_50, %dma_start3A_51] : memref<3x128x128xf32, #tpu.memory_space<vmem>> -> memref<1x128x128xf32, #tpu.memory_space<vmem>>
    %dma_start3A_53 = tpu.memref_squeeze %dma_start3A_52 : memref<1x128x128xf32, #tpu.memory_space<vmem>> -> memref<128x128xf32, #tpu.memory_space<vmem>>
    tpu.enqueue_dma source(%dma_start3A_53 : memref<128x128xf32, #tpu.memory_space<vmem>>) target(%dma_start3A_49 : memref<128x128xf32, #tpu.memory_space<vmem_shared>>) target_semaphore(%arg11 : memref<!tpu.dma_semaphore, #tpu.memory_space<semaphore_mem>>)
    %add3A_54 = arith.constant 384 : i32
    %add3A_55 = arith.addi %mul3A_9, %add3A_54 : i32
    %dma_start3A_56 = arith.constant 0 : i32
    %dma_start3A_57 = arith.constant 0 : i32
    %dma_start3A_58 = arith.constant 0 : i32
    %dma_start3A_59 = tpu.memref_slice %arg9[%dma_start3A_56, %dma_start3A_57, %dma_start3A_58] : memref<3x128x128xf32, #tpu.memory_space<vmem>> -> memref<1x128x128xf32, #tpu.memory_space<vmem>>
    %dma_start3A_60 = tpu.memref_squeeze %dma_start3A_59 : memref<1x128x128xf32, #tpu.memory_space<vmem>> -> memref<128x128xf32, #tpu.memory_space<vmem>>
    %dma_start3A_61 = arith.constant 0 : i32
    %dma_start3A_62 = tpu.memref_slice %arg10[%add3A_55, %dma_start3A_61] : memref<10112x128xf32, #tpu.memory_space<vmem_shared>> -> memref<128x128xf32, #tpu.memory_space<vmem_shared>>
    %dma_start3A_63 = arith.constant 0 : i32
    %dma_start3A_64 = tpu.memref_slice %arg10[%add3A_55, %dma_start3A_63] : memref<10112x128xf32, #tpu.memory_space<vmem_shared>> -> memref<128x128xf32, #tpu.memory_space<vmem_shared>>
    %dma_start3A_65 = arith.constant 0 : i32
    %dma_start3A_66 = arith.constant 0 : i32
    %dma_start3A_67 = tpu.memref_slice %arg9[%dma_start3A_56, %dma_start3A_65, %dma_start3A_66] : memref<3x128x128xf32, #tpu.memory_space<vmem>> -> memref<1x128x128xf32, #tpu.memory_space<vmem>>
    %dma_start3A_68 = tpu.memref_squeeze %dma_start3A_67 : memref<1x128x128xf32, #tpu.memory_space<vmem>> -> memref<128x128xf32, #tpu.memory_space<vmem>>
    tpu.enqueue_dma source(%dma_start3A_68 : memref<128x128xf32, #tpu.memory_space<vmem>>) target(%dma_start3A_64 : memref<128x128xf32, #tpu.memory_space<vmem_shared>>) target_semaphore(%arg11 : memref<!tpu.dma_semaphore, #tpu.memory_space<semaphore_mem>>)
    %add3A_69 = arith.constant 512 : i32
    %add3A_70 = arith.addi %mul3A_9, %add3A_69 : i32
    %dma_start3A_71 = arith.constant 0 : i32
    %dma_start3A_72 = arith.constant 0 : i32
    %dma_start3A_73 = arith.constant 0 : i32
    %dma_start3A_74 = tpu.memref_slice %arg9[%dma_start3A_71, %dma_start3A_72, %dma_start3A_73] : memref<3x128x128xf32, #tpu.memory_space<vmem>> -> memref<1x120x128xf32, #tpu.memory_space<vmem>>
    %dma_start3A_75 = tpu.memref_squeeze %dma_start3A_74 : memref<1x120x128xf32, #tpu.memory_space<vmem>> -> memref<120x128xf32, #tpu.memory_space<vmem>>
    %dma_start3A_76 = arith.constant 0 : i32
    %dma_start3A_77 = tpu.memref_slice %arg10[%add3A_70, %dma_start3A_76] : memref<10112x128xf32, #tpu.memory_space<vmem_shared>> -> memref<120x128xf32, #tpu.memory_space<vmem_shared>>
    %dma_start3A_78 = arith.constant 0 : i32
    %dma_start3A_79 = tpu.memref_slice %arg10[%add3A_70, %dma_start3A_78] : memref<10112x128xf32, #tpu.memory_space<vmem_shared>> -> memref<120x128xf32, #tpu.memory_space<vmem_shared>>
    %dma_start3A_80 = arith.constant 0 : i32
    %dma_start3A_81 = arith.constant 0 : i32
    %dma_start3A_82 = tpu.memref_slice %arg9[%dma_start3A_71, %dma_start3A_80, %dma_start3A_81] : memref<3x128x128xf32, #tpu.memory_space<vmem>> -> memref<1x120x128xf32, #tpu.memory_space<vmem>>
    %dma_start3A_83 = tpu.memref_squeeze %dma_start3A_82 : memref<1x120x128xf32, #tpu.memory_space<vmem>> -> memref<120x128xf32, #tpu.memory_space<vmem>>
    tpu.enqueue_dma source(%dma_start3A_83 : memref<120x128xf32, #tpu.memory_space<vmem>>) target(%dma_start3A_79 : memref<120x128xf32, #tpu.memory_space<vmem_shared>>) target_semaphore(%arg11 : memref<!tpu.dma_semaphore, #tpu.memory_space<semaphore_mem>>)
    %add3A_84 = arith.constant 0 : i32
    %add3A_85 = arith.addi %mul3A_9, %add3A_84 : i32
    %dma_wait3A = arith.constant 0 : i32
    %dma_wait3A_86 = arith.constant 0 : i32
    %dma_wait3A_87 = arith.constant 0 : i32
    %dma_wait3A_88 = tpu.memref_slice %arg9[%dma_wait3A, %dma_wait3A_86, %dma_wait3A_87] : memref<3x128x128xf32, #tpu.memory_space<vmem>> -> memref<1x128x128xf32, #tpu.memory_space<vmem>>
    %dma_wait3A_89 = tpu.memref_squeeze %dma_wait3A_88 : memref<1x128x128xf32, #tpu.memory_space<vmem>> -> memref<128x128xf32, #tpu.memory_space<vmem>>
    %dma_wait3A_90 = arith.constant 0 : i32
    %dma_wait3A_91 = tpu.memref_slice %arg10[%add3A_85, %dma_wait3A_90] : memref<10112x128xf32, #tpu.memory_space<vmem_shared>> -> memref<128x128xf32, #tpu.memory_space<vmem_shared>>
    %dma_wait3A_92 = arith.constant 0 : i32
    %dma_wait3A_93 = tpu.memref_slice %arg10[%add3A_85, %dma_wait3A_92] : memref<10112x128xf32, #tpu.memory_space<vmem_shared>> -> memref<128x128xf32, #tpu.memory_space<vmem_shared>>
    %dma_wait3A_94 = arith.constant 0 : i32
    %dma_wait3A_95 = arith.constant 0 : i32
    %dma_wait3A_96 = tpu.memref_slice %arg9[%dma_wait3A, %dma_wait3A_94, %dma_wait3A_95] : memref<3x128x128xf32, #tpu.memory_space<vmem>> -> memref<1x128x128xf32, #tpu.memory_space<vmem>>
    %dma_wait3A_97 = tpu.memref_squeeze %dma_wait3A_96 : memref<1x128x128xf32, #tpu.memory_space<vmem>> -> memref<128x128xf32, #tpu.memory_space<vmem>>
    tpu.wait_dma2 semaphore(%arg11 : memref<!tpu.dma_semaphore, #tpu.memory_space<semaphore_mem>>) src(%dma_wait3A_97 : memref<128x128xf32, #tpu.memory_space<vmem>>) dst(%dma_wait3A_93 : memref<128x128xf32, #tpu.memory_space<vmem_shared>>)
    %add3A_98 = arith.constant 128 : i32
    %add3A_99 = arith.addi %mul3A_9, %add3A_98 : i32
    %dma_wait3A_100 = arith.constant 0 : i32
    %dma_wait3A_101 = arith.constant 0 : i32
    %dma_wait3A_102 = arith.constant 0 : i32
    %dma_wait3A_103 = tpu.memref_slice %arg9[%dma_wait3A_100, %dma_wait3A_101, %dma_wait3A_102] : memref<3x128x128xf32, #tpu.memory_space<vmem>> -> memref<1x128x128xf32, #tpu.memory_space<vmem>>
    %dma_wait3A_104 = tpu.memref_squeeze %dma_wait3A_103 : memref<1x128x128xf32, #tpu.memory_space<vmem>> -> memref<128x128xf32, #tpu.memory_space<vmem>>
    %dma_wait3A_105 = arith.constant 0 : i32
    %dma_wait3A_106 = tpu.memref_slice %arg10[%add3A_99, %dma_wait3A_105] : memref<10112x128xf32, #tpu.memory_space<vmem_shared>> -> memref<128x128xf32, #tpu.memory_space<vmem_shared>>
    %dma_wait3A_107 = arith.constant 0 : i32
    %dma_wait3A_108 = tpu.memref_slice %arg10[%add3A_99, %dma_wait3A_107] : memref<10112x128xf32, #tpu.memory_space<vmem_shared>> -> memref<128x128xf32, #tpu.memory_space<vmem_shared>>
    %dma_wait3A_109 = arith.constant 0 : i32
    %dma_wait3A_110 = arith.constant 0 : i32
    %dma_wait3A_111 = tpu.memref_slice %arg9[%dma_wait3A_100, %dma_wait3A_109, %dma_wait3A_110] : memref<3x128x128xf32, #tpu.memory_space<vmem>> -> memref<1x128x128xf32, #tpu.memory_space<vmem>>
    %dma_wait3A_112 = tpu.memref_squeeze %dma_wait3A_111 : memref<1x128x128xf32, #tpu.memory_space<vmem>> -> memref<128x128xf32, #tpu.memory_space<vmem>>
    tpu.wait_dma2 semaphore(%arg11 : memref<!tpu.dma_semaphore, #tpu.memory_space<semaphore_mem>>) src(%dma_wait3A_112 : memref<128x128xf32, #tpu.memory_space<vmem>>) dst(%dma_wait3A_108 : memref<128x128xf32, #tpu.memory_space<vmem_shared>>)
    %add3A_113 = arith.constant 256 : i32
    %add3A_114 = arith.addi %mul3A_9, %add3A_113 : i32
    %dma_wait3A_115 = arith.constant 0 : i32
    %dma_wait3A_116 = arith.constant 0 : i32
    %dma_wait3A_117 = arith.constant 0 : i32
    %dma_wait3A_118 = tpu.memref_slice %arg9[%dma_wait3A_115, %dma_wait3A_116, %dma_wait3A_117] : memref<3x128x128xf32, #tpu.memory_space<vmem>> -> memref<1x128x128xf32, #tpu.memory_space<vmem>>
    %dma_wait3A_119 = tpu.memref_squeeze %dma_wait3A_118 : memref<1x128x128xf32, #tpu.memory_space<vmem>> -> memref<128x128xf32, #tpu.memory_space<vmem>>
    %dma_wait3A_120 = arith.constant 0 : i32
    %dma_wait3A_121 = tpu.memref_slice %arg10[%add3A_114, %dma_wait3A_120] : memref<10112x128xf32, #tpu.memory_space<vmem_shared>> -> memref<128x128xf32, #tpu.memory_space<vmem_shared>>
    %dma_wait3A_122 = arith.constant 0 : i32
    %dma_wait3A_123 = tpu.memref_slice %arg10[%add3A_114, %dma_wait3A_122] : memref<10112x128xf32, #tpu.memory_space<vmem_shared>> -> memref<128x128xf32, #tpu.memory_space<vmem_shared>>
    %dma_wait3A_124 = arith.constant 0 : i32
    %dma_wait3A_125 = arith.constant 0 : i32
    %dma_wait3A_126 = tpu.memref_slice %arg9[%dma_wait3A_115, %dma_wait3A_124, %dma_wait3A_125] : memref<3x128x128xf32, #tpu.memory_space<vmem>> -> memref<1x128x128xf32, #tpu.memory_space<vmem>>
    %dma_wait3A_127 = tpu.memref_squeeze %dma_wait3A_126 : memref<1x128x128xf32, #tpu.memory_space<vmem>> -> memref<128x128xf32, #tpu.memory_space<vmem>>
    tpu.wait_dma2 semaphore(%arg11 : memref<!tpu.dma_semaphore, #tpu.memory_space<semaphore_mem>>) src(%dma_wait3A_127 : memref<128x128xf32, #tpu.memory_space<vmem>>) dst(%dma_wait3A_123 : memref<128x128xf32, #tpu.memory_space<vmem_shared>>)
    %add3A_128 = arith.constant 384 : i32
    %add3A_129 = arith.addi %mul3A_9, %add3A_128 : i32
    %dma_wait3A_130 = arith.constant 0 : i32
    %dma_wait3A_131 = arith.constant 0 : i32
    %dma_wait3A_132 = arith.constant 0 : i32
    %dma_wait3A_133 = tpu.memref_slice %arg9[%dma_wait3A_130, %dma_wait3A_131, %dma_wait3A_132] : memref<3x128x128xf32, #tpu.memory_space<vmem>> -> memref<1x128x128xf32, #tpu.memory_space<vmem>>
    %dma_wait3A_134 = tpu.memref_squeeze %dma_wait3A_133 : memref<1x128x128xf32, #tpu.memory_space<vmem>> -> memref<128x128xf32, #tpu.memory_space<vmem>>
    %dma_wait3A_135 = arith.constant 0 : i32
    %dma_wait3A_136 = tpu.memref_slice %arg10[%add3A_129, %dma_wait3A_135] : memref<10112x128xf32, #tpu.memory_space<vmem_shared>> -> memref<128x128xf32, #tpu.memory_space<vmem_shared>>
    %dma_wait3A_137 = arith.constant 0 : i32
    %dma_wait3A_138 = tpu.memref_slice %arg10[%add3A_129, %dma_wait3A_137] : memref<10112x128xf32, #tpu.memory_space<vmem_shared>> -> memref<128x128xf32, #tpu.memory_space<vmem_shared>>
    %dma_wait3A_139 = arith.constant 0 : i32
    %dma_wait3A_140 = arith.constant 0 : i32
    %dma_wait3A_141 = tpu.memref_slice %arg9[%dma_wait3A_130, %dma_wait3A_139, %dma_wait3A_140] : memref<3x128x128xf32, #tpu.memory_space<vmem>> -> memref<1x128x128xf32, #tpu.memory_space<vmem>>
    %dma_wait3A_142 = tpu.memref_squeeze %dma_wait3A_141 : memref<1x128x128xf32, #tpu.memory_space<vmem>> -> memref<128x128xf32, #tpu.memory_space<vmem>>
    tpu.wait_dma2 semaphore(%arg11 : memref<!tpu.dma_semaphore, #tpu.memory_space<semaphore_mem>>) src(%dma_wait3A_142 : memref<128x128xf32, #tpu.memory_space<vmem>>) dst(%dma_wait3A_138 : memref<128x128xf32, #tpu.memory_space<vmem_shared>>)
    %add3A_143 = arith.constant 512 : i32
    %add3A_144 = arith.addi %mul3A_9, %add3A_143 : i32
    %dma_wait3A_145 = arith.constant 0 : i32
    %dma_wait3A_146 = arith.constant 0 : i32
    %dma_wait3A_147 = arith.constant 0 : i32
    %dma_wait3A_148 = tpu.memref_slice %arg9[%dma_wait3A_145, %dma_wait3A_146, %dma_wait3A_147] : memref<3x128x128xf32, #tpu.memory_space<vmem>> -> memref<1x120x128xf32, #tpu.memory_space<vmem>>
    %dma_wait3A_149 = tpu.memref_squeeze %dma_wait3A_148 : memref<1x120x128xf32, #tpu.memory_space<vmem>> -> memref<120x128xf32, #tpu.memory_space<vmem>>
    %dma_wait3A_150 = arith.constant 0 : i32
    %dma_wait3A_151 = tpu.memref_slice %arg10[%add3A_144, %dma_wait3A_150] : memref<10112x128xf32, #tpu.memory_space<vmem_shared>> -> memref<120x128xf32, #tpu.memory_space<vmem_shared>>
    %dma_wait3A_152 = arith.constant 0 : i32
    %dma_wait3A_153 = tpu.memref_slice %arg10[%add3A_144, %dma_wait3A_152] : memref<10112x128xf32, #tpu.memory_space<vmem_shared>> -> memref<120x128xf32, #tpu.memory_space<vmem_shared>>
    %dma_wait3A_154 = arith.constant 0 : i32
    %dma_wait3A_155 = arith.constant 0 : i32
    %dma_wait3A_156 = tpu.memref_slice %arg9[%dma_wait3A_145, %dma_wait3A_154, %dma_wait3A_155] : memref<3x128x128xf32, #tpu.memory_space<vmem>> -> memref<1x120x128xf32, #tpu.memory_space<vmem>>
    %dma_wait3A_157 = tpu.memref_squeeze %dma_wait3A_156 : memref<1x120x128xf32, #tpu.memory_space<vmem>> -> memref<120x128xf32, #tpu.memory_space<vmem>>
    tpu.wait_dma2 semaphore(%arg11 : memref<!tpu.dma_semaphore, #tpu.memory_space<semaphore_mem>>) src(%dma_wait3A_157 : memref<120x128xf32, #tpu.memory_space<vmem>>) dst(%dma_wait3A_153 : memref<120x128xf32, #tpu.memory_space<vmem_shared>>)
    %barrier3A = arith.constant 0 : index
    tpu.barrier barrier_id(%barrier3A)
    %sub3A = arith.constant 2500 : i32
    %sub3A_158 = arith.subi %sub3A, %add3A : i32
    %add3A_159 = arith.constant 32 : i32
    %add3A_160 = arith.addi %sub3A_158, %add3A_159 : i32
    %sub3A_161 = arith.constant 1 : i32
    %sub3A_162 = arith.subi %add3A_160, %sub3A_161 : i32
    %jit3A = arith.constant 32 : i32
    %div3A = arith.divsi %sub3A_162, %jit3A : i32
    %sign3A = arith.constant 0 : i32
    %sign3A_163 = arith.cmpi sgt, %sub3A_162, %sign3A : i32
    %sign3A_164 = arith.extui %sign3A_163 : i1 to i32
    %sign3A_165 = arith.constant 0 : i32
    %sign3A_166 = arith.cmpi slt, %sub3A_162, %sign3A_165 : i32
    %sign3A_167 = arith.extui %sign3A_166 : i1 to i32
    %sign3A_168 = arith.subi %sign3A_164, %sign3A_167 : i32
    %sign3A_169 = arith.constant 0 : i32
    %sign3A_170 = arith.cmpi sgt, %jit3A, %sign3A_169 : i32
    %sign3A_171 = arith.extui %sign3A_170 : i1 to i32
    %sign3A_172 = arith.constant 0 : i32
    %sign3A_173 = arith.cmpi slt, %jit3A, %sign3A_172 : i32
    %sign3A_174 = arith.extui %sign3A_173 : i1 to i32
    %sign3A_175 = arith.subi %sign3A_171, %sign3A_174 : i32
    %ne3A = arith.cmpi ne, %sign3A_168, %sign3A_175 : i32
    %rem3A = arith.remsi %sub3A_162, %jit3A : i32
    %ne3A_176 = arith.constant 0 : i32
    %ne3A_177 = arith.cmpi ne, %rem3A, %ne3A_176 : i32
    %and3A = arith.andi %ne3A, %ne3A_177 : i1
    %sub3A_178 = arith.constant 1 : i32
    %sub3A_179 = arith.subi %div3A, %sub3A_178 : i32
    %select_n3A = arith.select %and3A, %sub3A_179, %div3A : i32
    %add3A_180 = arith.constant 0 : i32
    %add3A_181 = arith.addi %add3A, %add3A_180 : i32
    %min3A = arith.constant 2499 : i32
    %min3A_182 = arith.minsi %add3A_181, %min3A : i32
    %mul3A_183 = arith.constant 128 : i32
    %mul3A_184 = arith.muli %min3A_182, %mul3A_183 : i32
    %multiple_of3A = tpu.assume_multiple %mul3A_184, 128 : i32
    %dma_start3A_185 = arith.constant 0 : i32
    %dma_start3A_186 = arith.constant 0 : i32
    %dma_start3A_187 = tpu.memref_slice %arg7[%dma_start3A_185, %dma_start3A_186] : memref<3x128xi32, #tpu.memory_space<vmem>> -> memref<1x128xi32, #tpu.memory_space<vmem>>
    %dma_start3A_188 = tpu.memref_squeeze %dma_start3A_187 : memref<1x128xi32, #tpu.memory_space<vmem>> -> memref<128xi32, #tpu.memory_space<vmem>>
    %dma_start3A_189 = tpu.memref_slice %arg3[%multiple_of3A] : memref<320000xi32, #tpu.memory_space<hbm>> -> memref<128xi32, #tpu.memory_space<hbm>>
    %dma_start3A_190 = arith.constant 0 : i32
    %dma_start3A_191 = tpu.memref_slice %arg7[%dma_start3A_185, %dma_start3A_190] : memref<3x128xi32, #tpu.memory_space<vmem>> -> memref<1x128xi32, #tpu.memory_space<vmem>>
    %dma_start3A_192 = tpu.memref_squeeze %dma_start3A_191 : memref<1x128xi32, #tpu.memory_space<vmem>> -> memref<128xi32, #tpu.memory_space<vmem>>
    %dma_start3A_193 = tpu.memref_slice %arg3[%multiple_of3A] : memref<320000xi32, #tpu.memory_space<hbm>> -> memref<128xi32, #tpu.memory_space<hbm>>
    tpu.enqueue_dma source(%dma_start3A_193 : memref<128xi32, #tpu.memory_space<hbm>>) target(%dma_start3A_192 : memref<128xi32, #tpu.memory_space<vmem>>) target_semaphore(%arg11 : memref<!tpu.dma_semaphore, #tpu.memory_space<semaphore_mem>>)
    %dma_start3A_194 = arith.constant 0 : i32
    %dma_start3A_195 = arith.constant 0 : i32
    %dma_start3A_196 = tpu.memref_slice %arg8[%dma_start3A_194, %dma_start3A_195] : memref<3x128xi32, #tpu.memory_space<vmem>> -> memref<1x128xi32, #tpu.memory_space<vmem>>
    %dma_start3A_197 = tpu.memref_squeeze %dma_start3A_196 : memref<1x128xi32, #tpu.memory_space<vmem>> -> memref<128xi32, #tpu.memory_space<vmem>>
    %dma_start3A_198 = tpu.memref_slice %arg4[%multiple_of3A] : memref<320000xi32, #tpu.memory_space<hbm>> -> memref<128xi32, #tpu.memory_space<hbm>>
    %dma_start3A_199 = arith.constant 0 : i32
    %dma_start3A_200 = tpu.memref_slice %arg8[%dma_start3A_194, %dma_start3A_199] : memref<3x128xi32, #tpu.memory_space<vmem>> -> memref<1x128xi32, #tpu.memory_space<vmem>>
    %dma_start3A_201 = tpu.memref_squeeze %dma_start3A_200 : memref<1x128xi32, #tpu.memory_space<vmem>> -> memref<128xi32, #tpu.memory_space<vmem>>
    %dma_start3A_202 = tpu.memref_slice %arg4[%multiple_of3A] : memref<320000xi32, #tpu.memory_space<hbm>> -> memref<128xi32, #tpu.memory_space<hbm>>
    tpu.enqueue_dma source(%dma_start3A_202 : memref<128xi32, #tpu.memory_space<hbm>>) target(%dma_start3A_201 : memref<128xi32, #tpu.memory_space<vmem>>) target_semaphore(%arg11 : memref<!tpu.dma_semaphore, #tpu.memory_space<semaphore_mem>>)
    %add3A_203 = arith.constant 32 : i32
    %add3A_204 = arith.addi %add3A, %add3A_203 : i32
    %min3A_205 = arith.constant 2499 : i32
    %min3A_206 = arith.minsi %add3A_204, %min3A_205 : i32
    %mul3A_207 = arith.constant 128 : i32
    %mul3A_208 = arith.muli %min3A_206, %mul3A_207 : i32
    %multiple_of3A_209 = tpu.assume_multiple %mul3A_208, 128 : i32
    %dma_start3A_210 = arith.constant 1 : i32
    %dma_start3A_211 = arith.constant 0 : i32
    %dma_start3A_212 = tpu.memref_slice %arg7[%dma_start3A_210, %dma_start3A_211] : memref<3x128xi32, #tpu.memory_space<vmem>> -> memref<1x128xi32, #tpu.memory_space<vmem>>
    %dma_start3A_213 = tpu.memref_squeeze %dma_start3A_212 : memref<1x128xi32, #tpu.memory_space<vmem>> -> memref<128xi32, #tpu.memory_space<vmem>>
    %dma_start3A_214 = tpu.memref_slice %arg3[%multiple_of3A_209] : memref<320000xi32, #tpu.memory_space<hbm>> -> memref<128xi32, #tpu.memory_space<hbm>>
    %dma_start3A_215 = arith.constant 0 : i32
    %dma_start3A_216 = tpu.memref_slice %arg7[%dma_start3A_210, %dma_start3A_215] : memref<3x128xi32, #tpu.memory_space<vmem>> -> memref<1x128xi32, #tpu.memory_space<vmem>>
    %dma_start3A_217 = tpu.memref_squeeze %dma_start3A_216 : memref<1x128xi32, #tpu.memory_space<vmem>> -> memref<128xi32, #tpu.memory_space<vmem>>
    %dma_start3A_218 = tpu.memref_slice %arg3[%multiple_of3A_209] : memref<320000xi32, #tpu.memory_space<hbm>> -> memref<128xi32, #tpu.memory_space<hbm>>
    tpu.enqueue_dma source(%dma_start3A_218 : memref<128xi32, #tpu.memory_space<hbm>>) target(%dma_start3A_217 : memref<128xi32, #tpu.memory_space<vmem>>) target_semaphore(%arg12 : memref<!tpu.dma_semaphore, #tpu.memory_space<semaphore_mem>>)
    %dma_start3A_219 = arith.constant 1 : i32
    %dma_start3A_220 = arith.constant 0 : i32
    %dma_start3A_221 = tpu.memref_slice %arg8[%dma_start3A_219, %dma_start3A_220] : memref<3x128xi32, #tpu.memory_space<vmem>> -> memref<1x128xi32, #tpu.memory_space<vmem>>
    %dma_start3A_222 = tpu.memref_squeeze %dma_start3A_221 : memref<1x128xi32, #tpu.memory_space<vmem>> -> memref<128xi32, #tpu.memory_space<vmem>>
    %dma_start3A_223 = tpu.memref_slice %arg4[%multiple_of3A_209] : memref<320000xi32, #tpu.memory_space<hbm>> -> memref<128xi32, #tpu.memory_space<hbm>>
    %dma_start3A_224 = arith.constant 0 : i32
    %dma_start3A_225 = tpu.memref_slice %arg8[%dma_start3A_219, %dma_start3A_224] : memref<3x128xi32, #tpu.memory_space<vmem>> -> memref<1x128xi32, #tpu.memory_space<vmem>>
    %dma_start3A_226 = tpu.memref_squeeze %dma_start3A_225 : memref<1x128xi32, #tpu.memory_space<vmem>> -> memref<128xi32, #tpu.memory_space<vmem>>
    %dma_start3A_227 = tpu.memref_slice %arg4[%multiple_of3A_209] : memref<320000xi32, #tpu.memory_space<hbm>> -> memref<128xi32, #tpu.memory_space<hbm>>
    tpu.enqueue_dma source(%dma_start3A_227 : memref<128xi32, #tpu.memory_space<hbm>>) target(%dma_start3A_226 : memref<128xi32, #tpu.memory_space<vmem>>) target_semaphore(%arg12 : memref<!tpu.dma_semaphore, #tpu.memory_space<semaphore_mem>>)
    %add3A_228 = arith.constant 64 : i32
    %add3A_229 = arith.addi %add3A, %add3A_228 : i32
    %min3A_230 = arith.constant 2499 : i32
    %min3A_231 = arith.minsi %add3A_229, %min3A_230 : i32
    %mul3A_232 = arith.constant 128 : i32
    %mul3A_233 = arith.muli %min3A_231, %mul3A_232 : i32
    %multiple_of3A_234 = tpu.assume_multiple %mul3A_233, 128 : i32
    %dma_start3A_235 = arith.constant 2 : i32
    %dma_start3A_236 = arith.constant 0 : i32
    %dma_start3A_237 = tpu.memref_slice %arg7[%dma_start3A_235, %dma_start3A_236] : memref<3x128xi32, #tpu.memory_space<vmem>> -> memref<1x128xi32, #tpu.memory_space<vmem>>
    %dma_start3A_238 = tpu.memref_squeeze %dma_start3A_237 : memref<1x128xi32, #tpu.memory_space<vmem>> -> memref<128xi32, #tpu.memory_space<vmem>>
    %dma_start3A_239 = tpu.memref_slice %arg3[%multiple_of3A_234] : memref<320000xi32, #tpu.memory_space<hbm>> -> memref<128xi32, #tpu.memory_space<hbm>>
    %dma_start3A_240 = arith.constant 0 : i32
    %dma_start3A_241 = tpu.memref_slice %arg7[%dma_start3A_235, %dma_start3A_240] : memref<3x128xi32, #tpu.memory_space<vmem>> -> memref<1x128xi32, #tpu.memory_space<vmem>>
    %dma_start3A_242 = tpu.memref_squeeze %dma_start3A_241 : memref<1x128xi32, #tpu.memory_space<vmem>> -> memref<128xi32, #tpu.memory_space<vmem>>
    %dma_start3A_243 = tpu.memref_slice %arg3[%multiple_of3A_234] : memref<320000xi32, #tpu.memory_space<hbm>> -> memref<128xi32, #tpu.memory_space<hbm>>
    tpu.enqueue_dma source(%dma_start3A_243 : memref<128xi32, #tpu.memory_space<hbm>>) target(%dma_start3A_242 : memref<128xi32, #tpu.memory_space<vmem>>) target_semaphore(%arg13 : memref<!tpu.dma_semaphore, #tpu.memory_space<semaphore_mem>>)
    %dma_start3A_244 = arith.constant 2 : i32
    %dma_start3A_245 = arith.constant 0 : i32
    %dma_start3A_246 = tpu.memref_slice %arg8[%dma_start3A_244, %dma_start3A_245] : memref<3x128xi32, #tpu.memory_space<vmem>> -> memref<1x128xi32, #tpu.memory_space<vmem>>
    %dma_start3A_247 = tpu.memref_squeeze %dma_start3A_246 : memref<1x128xi32, #tpu.memory_space<vmem>> -> memref<128xi32, #tpu.memory_space<vmem>>
    %dma_start3A_248 = tpu.memref_slice %arg4[%multiple_of3A_234] : memref<320000xi32, #tpu.memory_space<hbm>> -> memref<128xi32, #tpu.memory_space<hbm>>
    %dma_start3A_249 = arith.constant 0 : i32
    %dma_start3A_250 = tpu.memref_slice %arg8[%dma_start3A_244, %dma_start3A_249] : memref<3x128xi32, #tpu.memory_space<vmem>> -> memref<1x128xi32, #tpu.memory_space<vmem>>
    %dma_start3A_251 = tpu.memref_squeeze %dma_start3A_250 : memref<1x128xi32, #tpu.memory_space<vmem>> -> memref<128xi32, #tpu.memory_space<vmem>>
    %dma_start3A_252 = tpu.memref_slice %arg4[%multiple_of3A_234] : memref<320000xi32, #tpu.memory_space<hbm>> -> memref<128xi32, #tpu.memory_space<hbm>>
    tpu.enqueue_dma source(%dma_start3A_252 : memref<128xi32, #tpu.memory_space<hbm>>) target(%dma_start3A_251 : memref<128xi32, #tpu.memory_space<vmem>>) target_semaphore(%arg13 : memref<!tpu.dma_semaphore, #tpu.memory_space<semaphore_mem>>)
    %dma_wait3A_253 = arith.constant 0 : i32
    %dma_wait3A_254 = arith.constant 0 : i32
    %dma_wait3A_255 = tpu.memref_slice %arg7[%dma_wait3A_253, %dma_wait3A_254] : memref<3x128xi32, #tpu.memory_space<vmem>> -> memref<1x128xi32, #tpu.memory_space<vmem>>
    %dma_wait3A_256 = tpu.memref_squeeze %dma_wait3A_255 : memref<1x128xi32, #tpu.memory_space<vmem>> -> memref<128xi32, #tpu.memory_space<vmem>>
    %dma_wait3A_257 = arith.constant 0 : i32
    %dma_wait3A_258 = tpu.memref_slice %arg3[%dma_wait3A_257] : memref<320000xi32, #tpu.memory_space<hbm>> -> memref<128xi32, #tpu.memory_space<hbm>>
    %dma_wait3A_259 = arith.constant 0 : i32
    %dma_wait3A_260 = tpu.memref_slice %arg7[%dma_wait3A_253, %dma_wait3A_259] : memref<3x128xi32, #tpu.memory_space<vmem>> -> memref<1x128xi32, #tpu.memory_space<vmem>>
    %dma_wait3A_261 = tpu.memref_squeeze %dma_wait3A_260 : memref<1x128xi32, #tpu.memory_space<vmem>> -> memref<128xi32, #tpu.memory_space<vmem>>
    %dma_wait3A_262 = arith.constant 0 : i32
    %dma_wait3A_263 = tpu.memref_slice %arg3[%dma_wait3A_262] : memref<320000xi32, #tpu.memory_space<hbm>> -> memref<128xi32, #tpu.memory_space<hbm>>
    tpu.wait_dma2 semaphore(%arg11 : memref<!tpu.dma_semaphore, #tpu.memory_space<semaphore_mem>>) src(%dma_wait3A_263 : memref<128xi32, #tpu.memory_space<hbm>>) dst(%dma_wait3A_261 : memref<128xi32, #tpu.memory_space<vmem>>)
    %dma_wait3A_264 = arith.constant 0 : i32
    %dma_wait3A_265 = arith.constant 0 : i32
    %dma_wait3A_266 = tpu.memref_slice %arg8[%dma_wait3A_264, %dma_wait3A_265] : memref<3x128xi32, #tpu.memory_space<vmem>> -> memref<1x128xi32, #tpu.memory_space<vmem>>
    %dma_wait3A_267 = tpu.memref_squeeze %dma_wait3A_266 : memref<1x128xi32, #tpu.memory_space<vmem>> -> memref<128xi32, #tpu.memory_space<vmem>>
    %dma_wait3A_268 = arith.constant 0 : i32
    %dma_wait3A_269 = tpu.memref_slice %arg3[%dma_wait3A_268] : memref<320000xi32, #tpu.memory_space<hbm>> -> memref<128xi32, #tpu.memory_space<hbm>>
    %dma_wait3A_270 = arith.constant 0 : i32
    %dma_wait3A_271 = tpu.memref_slice %arg8[%dma_wait3A_264, %dma_wait3A_270] : memref<3x128xi32, #tpu.memory_space<vmem>> -> memref<1x128xi32, #tpu.memory_space<vmem>>
    %dma_wait3A_272 = tpu.memref_squeeze %dma_wait3A_271 : memref<1x128xi32, #tpu.memory_space<vmem>> -> memref<128xi32, #tpu.memory_space<vmem>>
    %dma_wait3A_273 = arith.constant 0 : i32
    %dma_wait3A_274 = tpu.memref_slice %arg3[%dma_wait3A_273] : memref<320000xi32, #tpu.memory_space<hbm>> -> memref<128xi32, #tpu.memory_space<hbm>>
    tpu.wait_dma2 semaphore(%arg11 : memref<!tpu.dma_semaphore, #tpu.memory_space<semaphore_mem>>) src(%dma_wait3A_274 : memref<128xi32, #tpu.memory_space<hbm>>) dst(%dma_wait3A_272 : memref<128xi32, #tpu.memory_space<vmem>>)
    %dma_start3A_275 = arith.constant 0 : i32
    %dma_start3A_276 = arith.constant 0 : i32
    %dma_start3A_277 = arith.constant 0 : i32
    %dma_start3A_278 = arith.constant 0 : i32
    %dma_start3A_279 = tpu.memref_slice %arg9[%dma_start3A_276, %dma_start3A_277, %dma_start3A_278] : memref<3x128x128xf32, #tpu.memory_space<vmem>> -> memref<1x128x128xf32, #tpu.memory_space<vmem>>
    %dma_start3A_280 = tpu.memref_squeeze %dma_start3A_279 : memref<1x128x128xf32, #tpu.memory_space<vmem>> -> memref<128x128xf32, #tpu.memory_space<vmem>>
    %dma_start3A_281 = arith.constant 0 : i32
    %dma_start3A_282 = tpu.memref_slice %arg7[%dma_start3A_275, %dma_start3A_281] : memref<3x128xi32, #tpu.memory_space<vmem>> -> memref<1x128xi32, #tpu.memory_space<vmem>>
    %dma_start3A_283 = tpu.memref_squeeze %dma_start3A_282 : memref<1x128xi32, #tpu.memory_space<vmem>> -> memref<128xi32, #tpu.memory_space<vmem>>
    %dma_start3A_284 = arith.constant 0 : i32
    %dma_start3A_285 = arith.constant 0 : i32
    %dma_start3A_286 = tpu.memref_slice %arg2[%dma_start3A_284, %dma_start3A_285] : memref<10000x128xf32, #tpu.memory_space<hbm>> -> memref<10000x128xf32, #tpu.memory_space<hbm>>
    tpu.enqueue_indirect_dma source(%dma_start3A_286 : memref<10000x128xf32, #tpu.memory_space<hbm>>) target(%dma_start3A_280 : memref<128x128xf32, #tpu.memory_space<vmem>>) offsets(%dma_start3A_283 : memref<128xi32, #tpu.memory_space<vmem>>) semaphore(%arg14 : memref<!tpu.dma_semaphore, #tpu.memory_space<semaphore_mem>>)
    %dma_wait3A_287 = arith.constant 1 : i32
    %dma_wait3A_288 = arith.constant 0 : i32
    %dma_wait3A_289 = tpu.memref_slice %arg7[%dma_wait3A_287, %dma_wait3A_288] : memref<3x128xi32, #tpu.memory_space<vmem>> -> memref<1x128xi32, #tpu.memory_space<vmem>>
    %dma_wait3A_290 = tpu.memref_squeeze %dma_wait3A_289 : memref<1x128xi32, #tpu.memory_space<vmem>> -> memref<128xi32, #tpu.memory_space<vmem>>
    %dma_wait3A_291 = arith.constant 0 : i32
    %dma_wait3A_292 = tpu.memref_slice %arg3[%dma_wait3A_291] : memref<320000xi32, #tpu.memory_space<hbm>> -> memref<128xi32, #tpu.memory_space<hbm>>
    %dma_wait3A_293 = arith.constant 0 : i32
    %dma_wait3A_294 = tpu.memref_slice %arg7[%dma_wait3A_287, %dma_wait3A_293] : memref<3x128xi32, #tpu.memory_space<vmem>> -> memref<1x128xi32, #tpu.memory_space<vmem>>
    %dma_wait3A_295 = tpu.memref_squeeze %dma_wait3A_294 : memref<1x128xi32, #tpu.memory_space<vmem>> -> memref<128xi32, #tpu.memory_space<vmem>>
    %dma_wait3A_296 = arith.constant 0 : i32
    %dma_wait3A_297 = tpu.memref_slice %arg3[%dma_wait3A_296] : memref<320000xi32, #tpu.memory_space<hbm>> -> memref<128xi32, #tpu.memory_space<hbm>>
    tpu.wait_dma2 semaphore(%arg12 : memref<!tpu.dma_semaphore, #tpu.memory_space<semaphore_mem>>) src(%dma_wait3A_297 : memref<128xi32, #tpu.memory_space<hbm>>) dst(%dma_wait3A_295 : memref<128xi32, #tpu.memory_space<vmem>>)
    %dma_wait3A_298 = arith.constant 1 : i32
    %dma_wait3A_299 = arith.constant 0 : i32
    %dma_wait3A_300 = tpu.memref_slice %arg8[%dma_wait3A_298, %dma_wait3A_299] : memref<3x128xi32, #tpu.memory_space<vmem>> -> memref<1x128xi32, #tpu.memory_space<vmem>>
    %dma_wait3A_301 = tpu.memref_squeeze %dma_wait3A_300 : memref<1x128xi32, #tpu.memory_space<vmem>> -> memref<128xi32, #tpu.memory_space<vmem>>
    %dma_wait3A_302 = arith.constant 0 : i32
    %dma_wait3A_303 = tpu.memref_slice %arg3[%dma_wait3A_302] : memref<320000xi32, #tpu.memory_space<hbm>> -> memref<128xi32, #tpu.memory_space<hbm>>
    %dma_wait3A_304 = arith.constant 0 : i32
    %dma_wait3A_305 = tpu.memref_slice %arg8[%dma_wait3A_298, %dma_wait3A_304] : memref<3x128xi32, #tpu.memory_space<vmem>> -> memref<1x128xi32, #tpu.memory_space<vmem>>
    %dma_wait3A_306 = tpu.memref_squeeze %dma_wait3A_305 : memref<1x128xi32, #tpu.memory_space<vmem>> -> memref<128xi32, #tpu.memory_space<vmem>>
    %dma_wait3A_307 = arith.constant 0 : i32
    %dma_wait3A_308 = tpu.memref_slice %arg3[%dma_wait3A_307] : memref<320000xi32, #tpu.memory_space<hbm>> -> memref<128xi32, #tpu.memory_space<hbm>>
    tpu.wait_dma2 semaphore(%arg12 : memref<!tpu.dma_semaphore, #tpu.memory_space<semaphore_mem>>) src(%dma_wait3A_308 : memref<128xi32, #tpu.memory_space<hbm>>) dst(%dma_wait3A_306 : memref<128xi32, #tpu.memory_space<vmem>>)
    %dma_start3A_309 = arith.constant 1 : i32
    %dma_start3A_310 = arith.constant 1 : i32
    %dma_start3A_311 = arith.constant 0 : i32
    %dma_start3A_312 = arith.constant 0 : i32
    %dma_start3A_313 = tpu.memref_slice %arg9[%dma_start3A_310, %dma_start3A_311, %dma_start3A_312] : memref<3x128x128xf32, #tpu.memory_space<vmem>> -> memref<1x128x128xf32, #tpu.memory_space<vmem>>
    %dma_start3A_314 = tpu.memref_squeeze %dma_start3A_313 : memref<1x128x128xf32, #tpu.memory_space<vmem>> -> memref<128x128xf32, #tpu.memory_space<vmem>>
    %dma_start3A_315 = arith.constant 0 : i32
    %dma_start3A_316 = tpu.memref_slice %arg7[%dma_start3A_309, %dma_start3A_315] : memref<3x128xi32, #tpu.memory_space<vmem>> -> memref<1x128xi32, #tpu.memory_space<vmem>>
    %dma_start3A_317 = tpu.memref_squeeze %dma_start3A_316 : memref<1x128xi32, #tpu.memory_space<vmem>> -> memref<128xi32, #tpu.memory_space<vmem>>
    %dma_start3A_318 = arith.constant 0 : i32
    %dma_start3A_319 = arith.constant 0 : i32
    %dma_start3A_320 = tpu.memref_slice %arg2[%dma_start3A_318, %dma_start3A_319] : memref<10000x128xf32, #tpu.memory_space<hbm>> -> memref<10000x128xf32, #tpu.memory_space<hbm>>
    tpu.enqueue_indirect_dma source(%dma_start3A_320 : memref<10000x128xf32, #tpu.memory_space<hbm>>) target(%dma_start3A_314 : memref<128x128xf32, #tpu.memory_space<vmem>>) offsets(%dma_start3A_317 : memref<128xi32, #tpu.memory_space<vmem>>) semaphore(%arg15 : memref<!tpu.dma_semaphore, #tpu.memory_space<semaphore_mem>>)
    %scan3A_321 = arith.constant 2 : i32
    %scan3A_322 = arith.constant 2 : i32
    %scan3A_323 = arith.constant 2 : i32
    %scan3A_324 = arith.constant 0 : i32
    %scan3A_325 = arith.constant 0 : i32
    %scan3A_326 = arith.constant 0 : i32
    %scan3A_327 = arith.constant 1 : i32
    %scan3A_328 = arith.constant 1 : i32
    %scan3A_329 = arith.constant 1 : i32
    %scan3A_330 = arith.constant 0 : i32
    %scan3A_331 = arith.constant 0 : i32
    %scan3A_332 = arith.constant 27 : i32
    %scan3A_333 = arith.addi %scan3A_331, %scan3A_332 : i32
    %scan3A_334 = arith.constant 1 : i32
    %scan3A_335 = scf.for %scan3A_348 = %scan3A_331 to %scan3A_333 step %scan3A_334 iter_args(%scan3A_349 = %scan3A_330) -> (i32)  : i32 {
      %mul3A_350 = arith.constant 3 : i32
      %mul3A_351 = arith.muli %scan3A_348, %mul3A_350 : i32
      %add3A_352 = arith.constant 0 : i32
      %add3A_353 = arith.addi %mul3A_351, %add3A_352 : i32
      %add3A_354 = arith.constant 2 : i32
      %add3A_355 = arith.addi %add3A_353, %add3A_354 : i32
      %lt3A = arith.constant 81 : i32
      %lt3A_356 = arith.cmpi slt, %add3A_355, %lt3A : i32
      %convert_element_type3A_357 = arith.extui %lt3A_356 : i1 to i32
      %cond3A_358 = arith.constant 0 : i32
      %cond3A_359 = arith.cmpi ne, %convert_element_type3A_357, %cond3A_358 : i32
      scf.if %cond3A_359 {
        %dma_wait3A_446 = arith.constant 0 : i32
        %dma_wait3A_447 = tpu.memref_slice %arg7[%scan3A_321, %dma_wait3A_446] : memref<3x128xi32, #tpu.memory_space<vmem>> -> memref<1x128xi32, #tpu.memory_space<vmem>>
        %dma_wait3A_448 = tpu.memref_squeeze %dma_wait3A_447 : memref<1x128xi32, #tpu.memory_space<vmem>> -> memref<128xi32, #tpu.memory_space<vmem>>
        %dma_wait3A_449 = arith.constant 0 : i32
        %dma_wait3A_450 = tpu.memref_slice %arg3[%dma_wait3A_449] : memref<320000xi32, #tpu.memory_space<hbm>> -> memref<128xi32, #tpu.memory_space<hbm>>
        %dma_wait3A_451 = arith.constant 0 : i32
        %dma_wait3A_452 = tpu.memref_slice %arg7[%scan3A_321, %dma_wait3A_451] : memref<3x128xi32, #tpu.memory_space<vmem>> -> memref<1x128xi32, #tpu.memory_space<vmem>>
        %dma_wait3A_453 = tpu.memref_squeeze %dma_wait3A_452 : memref<1x128xi32, #tpu.memory_space<vmem>> -> memref<128xi32, #tpu.memory_space<vmem>>
        %dma_wait3A_454 = arith.constant 0 : i32
        %dma_wait3A_455 = tpu.memref_slice %arg3[%dma_wait3A_454] : memref<320000xi32, #tpu.memory_space<hbm>> -> memref<128xi32, #tpu.memory_space<hbm>>
        tpu.wait_dma2 semaphore(%arg13 : memref<!tpu.dma_semaphore, #tpu.memory_space<semaphore_mem>>) src(%dma_wait3A_455 : memref<128xi32, #tpu.memory_space<hbm>>) dst(%dma_wait3A_453 : memref<128xi32, #tpu.memory_space<vmem>>)
        %dma_wait3A_456 = arith.constant 0 : i32
        %dma_wait3A_457 = tpu.memref_slice %arg8[%scan3A_322, %dma_wait3A_456] : memref<3x128xi32, #tpu.memory_space<vmem>> -> memref<1x128xi32, #tpu.memory_space<vmem>>
        %dma_wait3A_458 = tpu.memref_squeeze %dma_wait3A_457 : memref<1x128xi32, #tpu.memory_space<vmem>> -> memref<128xi32, #tpu.memory_space<vmem>>
        %dma_wait3A_459 = arith.constant 0 : i32
        %dma_wait3A_460 = tpu.memref_slice %arg3[%dma_wait3A_459] : memref<320000xi32, #tpu.memory_space<hbm>> -> memref<128xi32, #tpu.memory_space<hbm>>
        %dma_wait3A_461 = arith.constant 0 : i32
        %dma_wait3A_462 = tpu.memref_slice %arg8[%scan3A_322, %dma_wait3A_461] : memref<3x128xi32, #tpu.memory_space<vmem>> -> memref<1x128xi32, #tpu.memory_space<vmem>>
        %dma_wait3A_463 = tpu.memref_squeeze %dma_wait3A_462 : memref<1x128xi32, #tpu.memory_space<vmem>> -> memref<128xi32, #tpu.memory_space<vmem>>
        %dma_wait3A_464 = arith.constant 0 : i32
        %dma_wait3A_465 = tpu.memref_slice %arg3[%dma_wait3A_464] : memref<320000xi32, #tpu.memory_space<hbm>> -> memref<128xi32, #tpu.memory_space<hbm>>
        tpu.wait_dma2 semaphore(%arg13 : memref<!tpu.dma_semaphore, #tpu.memory_space<semaphore_mem>>) src(%dma_wait3A_465 : memref<128xi32, #tpu.memory_space<hbm>>) dst(%dma_wait3A_463 : memref<128xi32, #tpu.memory_space<vmem>>)
        %dma_start3A_466 = arith.constant 0 : i32
        %dma_start3A_467 = arith.constant 0 : i32
        %dma_start3A_468 = tpu.memref_slice %arg9[%scan3A_323, %dma_start3A_466, %dma_start3A_467] : memref<3x128x128xf32, #tpu.memory_space<vmem>> -> memref<1x128x128xf32, #tpu.memory_space<vmem>>
        %dma_start3A_469 = tpu.memref_squeeze %dma_start3A_468 : memref<1x128x128xf32, #tpu.memory_space<vmem>> -> memref<128x128xf32, #tpu.memory_space<vmem>>
        %dma_start3A_470 = arith.constant 0 : i32
        %dma_start3A_471 = tpu.memref_slice %arg7[%scan3A_321, %dma_start3A_470] : memref<3x128xi32, #tpu.memory_space<vmem>> -> memref<1x128xi32, #tpu.memory_space<vmem>>
        %dma_start3A_472 = tpu.memref_squeeze %dma_start3A_471 : memref<1x128xi32, #tpu.memory_space<vmem>> -> memref<128xi32, #tpu.memory_space<vmem>>
        %dma_start3A_473 = arith.constant 0 : i32
        %dma_start3A_474 = arith.constant 0 : i32
        %dma_start3A_475 = tpu.memref_slice %arg2[%dma_start3A_473, %dma_start3A_474] : memref<10000x128xf32, #tpu.memory_space<hbm>> -> memref<10000x128xf32, #tpu.memory_space<hbm>>
        tpu.enqueue_indirect_dma source(%dma_start3A_475 : memref<10000x128xf32, #tpu.memory_space<hbm>>) target(%dma_start3A_469 : memref<128x128xf32, #tpu.memory_space<vmem>>) offsets(%dma_start3A_472 : memref<128xi32, #tpu.memory_space<vmem>>) semaphore(%arg16 : memref<!tpu.dma_semaphore, #tpu.memory_space<semaphore_mem>>)
      } else {
      }
      %dma_wait3A_360 = arith.constant 0 : i32
      %dma_wait3A_361 = arith.constant 0 : i32
      %dma_wait3A_362 = tpu.memref_slice %arg9[%scan3A_325, %dma_wait3A_360, %dma_wait3A_361] : memref<3x128x128xf32, #tpu.memory_space<vmem>> -> memref<1x128x128xf32, #tpu.memory_space<vmem>>
      %dma_wait3A_363 = tpu.memref_squeeze %dma_wait3A_362 : memref<1x128x128xf32, #tpu.memory_space<vmem>> -> memref<128x128xf32, #tpu.memory_space<vmem>>
      %dma_wait3A_364 = arith.constant 0 : i32
      %dma_wait3A_365 = tpu.memref_slice %arg7[%scan3A_324, %dma_wait3A_364] : memref<3x128xi32, #tpu.memory_space<vmem>> -> memref<1x128xi32, #tpu.memory_space<vmem>>
      %dma_wait3A_366 = tpu.memref_squeeze %dma_wait3A_365 : memref<1x128xi32, #tpu.memory_space<vmem>> -> memref<128xi32, #tpu.memory_space<vmem>>
      %dma_wait3A_367 = arith.constant 0 : i32
      %dma_wait3A_368 = arith.constant 0 : i32
      %dma_wait3A_369 = tpu.memref_slice %arg2[%dma_wait3A_367, %dma_wait3A_368] : memref<10000x128xf32, #tpu.memory_space<hbm>> -> memref<10000x128xf32, #tpu.memory_space<hbm>>
      tpu.wait_indirect_dma semaphore(%arg14 : memref<!tpu.dma_semaphore, #tpu.memory_space<semaphore_mem>>) src(%dma_wait3A_369 : memref<10000x128xf32, #tpu.memory_space<hbm>>) dst(%dma_wait3A_363 : memref<128x128xf32, #tpu.memory_space<vmem>>)
      %lt3A_370 = arith.cmpi slt, %add3A_353, %select_n3A : i32
      %convert_element_type3A_371 = arith.extui %lt3A_370 : i1 to i32
      %cond3A_372 = arith.constant 0 : i32
      %cond3A_373 = arith.cmpi ne, %convert_element_type3A_371, %cond3A_372 : i32
      scf.if %cond3A_373 {
        "tpu.region"() ({
          %run_scoped3A = tpu.sem_alloc : memref<!tpu.dma_semaphore, #tpu.memory_space<semaphore_mem>>
          %dma_start3A_446 = arith.constant 0 : i32
          %dma_start3A_447 = arith.constant 0 : i32
          %dma_start3A_448 = tpu.memref_slice %arg9[%scan3A_325, %dma_start3A_446, %dma_start3A_447] : memref<3x128x128xf32, #tpu.memory_space<vmem>> -> memref<1x128x128xf32, #tpu.memory_space<vmem>>
          %dma_start3A_449 = tpu.memref_squeeze %dma_start3A_448 : memref<1x128x128xf32, #tpu.memory_space<vmem>> -> memref<128x128xf32, #tpu.memory_space<vmem>>
          %dma_start3A_450 = arith.constant 0 : i32
          %dma_start3A_451 = tpu.memref_slice %arg8[%scan3A_326, %dma_start3A_450] : memref<3x128xi32, #tpu.memory_space<vmem>> -> memref<1x128xi32, #tpu.memory_space<vmem>>
          %dma_start3A_452 = tpu.memref_squeeze %dma_start3A_451 : memref<1x128xi32, #tpu.memory_space<vmem>> -> memref<128xi32, #tpu.memory_space<vmem>>
          %dma_start3A_453 = arith.constant 0 : i32
          %dma_start3A_454 = arith.constant 0 : i32
          %dma_start3A_455 = tpu.memref_slice %arg10[%dma_start3A_453, %dma_start3A_454] : memref<10112x128xf32, #tpu.memory_space<vmem_shared>> -> memref<10112x128xf32, #tpu.memory_space<vmem_shared>>
          tpu.enqueue_indirect_dma source(%dma_start3A_449 : memref<128x128xf32, #tpu.memory_space<vmem>>) target(%dma_start3A_455 : memref<10112x128xf32, #tpu.memory_space<vmem_shared>>) offsets(%dma_start3A_452 : memref<128xi32, #tpu.memory_space<vmem>>) semaphore(%run_scoped3A : memref<!tpu.dma_semaphore, #tpu.memory_space<semaphore_mem>>) {add = true}
          %dma_wait3A_456 = arith.constant 0 : i32
          %dma_wait3A_457 = arith.constant 0 : i32
          %dma_wait3A_458 = tpu.memref_slice %arg9[%scan3A_325, %dma_wait3A_456, %dma_wait3A_457] : memref<3x128x128xf32, #tpu.memory_space<vmem>> -> memref<1x128x128xf32, #tpu.memory_space<vmem>>
          %dma_wait3A_459 = tpu.memref_squeeze %dma_wait3A_458 : memref<1x128x128xf32, #tpu.memory_space<vmem>> -> memref<128x128xf32, #tpu.memory_space<vmem>>
          %dma_wait3A_460 = arith.constant 0 : i32
          %dma_wait3A_461 = tpu.memref_slice %arg8[%scan3A_326, %dma_wait3A_460] : memref<3x128xi32, #tpu.memory_space<vmem>> -> memref<1x128xi32, #tpu.memory_space<vmem>>
          %dma_wait3A_462 = tpu.memref_squeeze %dma_wait3A_461 : memref<1x128xi32, #tpu.memory_space<vmem>> -> memref<128xi32, #tpu.memory_space<vmem>>
          %dma_wait3A_463 = arith.constant 0 : i32
          %dma_wait3A_464 = arith.constant 0 : i32
          %dma_wait3A_465 = tpu.memref_slice %arg10[%dma_wait3A_463, %dma_wait3A_464] : memref<10112x128xf32, #tpu.memory_space<vmem_shared>> -> memref<10112x128xf32, #tpu.memory_space<vmem_shared>>
          tpu.wait_indirect_dma semaphore(%run_scoped3A : memref<!tpu.dma_semaphore, #tpu.memory_space<semaphore_mem>>) src(%dma_wait3A_459 : memref<128x128xf32, #tpu.memory_space<vmem>>) dst(%dma_wait3A_465 : memref<10112x128xf32, #tpu.memory_space<vmem_shared>>)
          tpu.yield
        }) : () -> ()
      } else {
      }
      %add3A_374 = arith.constant 3 : i32
      %add3A_375 = arith.addi %add3A_353, %add3A_374 : i32
      %lt3A_376 = arith.constant 81 : i32
      %lt3A_377 = arith.cmpi slt, %add3A_375, %lt3A_376 : i32
      %convert_element_type3A_378 = arith.extui %lt3A_377 : i1 to i32
      %cond3A_379 = arith.constant 0 : i32
      %cond3A_380 = arith.cmpi ne, %convert_element_type3A_378, %cond3A_379 : i32
      scf.if %cond3A_380 {
        %add3A_446 = arith.constant 3 : i32
        %add3A_447 = arith.addi %add3A_353, %add3A_446 : i32
        %mul3A_448 = arith.constant 32 : i32
        %mul3A_449 = arith.muli %add3A_447, %mul3A_448 : i32
        %add3A_450 = arith.addi %add3A, %mul3A_449 : i32
        %min3A_451 = arith.constant 2499 : i32
        %min3A_452 = arith.minsi %add3A_450, %min3A_451 : i32
        %mul3A_453 = arith.constant 128 : i32
        %mul3A_454 = arith.muli %min3A_452, %mul3A_453 : i32
        %multiple_of3A_455 = tpu.assume_multiple %mul3A_454, 128 : i32
        %dma_start3A_456 = arith.constant 0 : i32
        %dma_start3A_457 = tpu.memref_slice %arg7[%scan3A_324, %dma_start3A_456] : memref<3x128xi32, #tpu.memory_space<vmem>> -> memref<1x128xi32, #tpu.memory_space<vmem>>
        %dma_start3A_458 = tpu.memref_squeeze %dma_start3A_457 : memref<1x128xi32, #tpu.memory_space<vmem>> -> memref<128xi32, #tpu.memory_space<vmem>>
        %dma_start3A_459 = tpu.memref_slice %arg3[%multiple_of3A_455] : memref<320000xi32, #tpu.memory_space<hbm>> -> memref<128xi32, #tpu.memory_space<hbm>>
        %dma_start3A_460 = arith.constant 0 : i32
        %dma_start3A_461 = tpu.memref_slice %arg7[%scan3A_324, %dma_start3A_460] : memref<3x128xi32, #tpu.memory_space<vmem>> -> memref<1x128xi32, #tpu.memory_space<vmem>>
        %dma_start3A_462 = tpu.memref_squeeze %dma_start3A_461 : memref<1x128xi32, #tpu.memory_space<vmem>> -> memref<128xi32, #tpu.memory_space<vmem>>
        %dma_start3A_463 = tpu.memref_slice %arg3[%multiple_of3A_455] : memref<320000xi32, #tpu.memory_space<hbm>> -> memref<128xi32, #tpu.memory_space<hbm>>
        tpu.enqueue_dma source(%dma_start3A_463 : memref<128xi32, #tpu.memory_space<hbm>>) target(%dma_start3A_462 : memref<128xi32, #tpu.memory_space<vmem>>) target_semaphore(%arg11 : memref<!tpu.dma_semaphore, #tpu.memory_space<semaphore_mem>>)
        %dma_start3A_464 = arith.constant 0 : i32
        %dma_start3A_465 = tpu.memref_slice %arg8[%scan3A_326, %dma_start3A_464] : memref<3x128xi32, #tpu.memory_space<vmem>> -> memref<1x128xi32, #tpu.memory_space<vmem>>
        %dma_start3A_466 = tpu.memref_squeeze %dma_start3A_465 : memref<1x128xi32, #tpu.memory_space<vmem>> -> memref<128xi32, #tpu.memory_space<vmem>>
        %dma_start3A_467 = tpu.memref_slice %arg4[%multiple_of3A_455] : memref<320000xi32, #tpu.memory_space<hbm>> -> memref<128xi32, #tpu.memory_space<hbm>>
        %dma_start3A_468 = arith.constant 0 : i32
        %dma_start3A_469 = tpu.memref_slice %arg8[%scan3A_326, %dma_start3A_468] : memref<3x128xi32, #tpu.memory_space<vmem>> -> memref<1x128xi32, #tpu.memory_space<vmem>>
        %dma_start3A_470 = tpu.memref_squeeze %dma_start3A_469 : memref<1x128xi32, #tpu.memory_space<vmem>> -> memref<128xi32, #tpu.memory_space<vmem>>
        %dma_start3A_471 = tpu.memref_slice %arg4[%multiple_of3A_455] : memref<320000xi32, #tpu.memory_space<hbm>> -> memref<128xi32, #tpu.memory_space<hbm>>
        tpu.enqueue_dma source(%dma_start3A_471 : memref<128xi32, #tpu.memory_space<hbm>>) target(%dma_start3A_470 : memref<128xi32, #tpu.memory_space<vmem>>) target_semaphore(%arg11 : memref<!tpu.dma_semaphore, #tpu.memory_space<semaphore_mem>>)
      } else {
      }
      %mul3A_381 = arith.constant 3 : i32
      %mul3A_382 = arith.muli %scan3A_348, %mul3A_381 : i32
      %add3A_383 = arith.constant 1 : i32
      %add3A_384 = arith.addi %mul3A_382, %add3A_383 : i32
      %add3A_385 = arith.constant 2 : i32
      %add3A_386 = arith.addi %add3A_384, %add3A_385 : i32
      %lt3A_387 = arith.constant 81 : i32
      %lt3A_388 = arith.cmpi slt, %add3A_386, %lt3A_387 : i32
      %convert_element_type3A_389 = arith.extui %lt3A_388 : i1 to i32
      %cond3A_390 = arith.constant 0 : i32
      %cond3A_391 = arith.cmpi ne, %convert_element_type3A_389, %cond3A_390 : i32
      scf.if %cond3A_391 {
        %dma_wait3A_446 = arith.constant 0 : i32
        %dma_wait3A_447 = tpu.memref_slice %arg7[%scan3A_324, %dma_wait3A_446] : memref<3x128xi32, #tpu.memory_space<vmem>> -> memref<1x128xi32, #tpu.memory_space<vmem>>
        %dma_wait3A_448 = tpu.memref_squeeze %dma_wait3A_447 : memref<1x128xi32, #tpu.memory_space<vmem>> -> memref<128xi32, #tpu.memory_space<vmem>>
        %dma_wait3A_449 = arith.constant 0 : i32
        %dma_wait3A_450 = tpu.memref_slice %arg3[%dma_wait3A_449] : memref<320000xi32, #tpu.memory_space<hbm>> -> memref<128xi32, #tpu.memory_space<hbm>>
        %dma_wait3A_451 = arith.constant 0 : i32
        %dma_wait3A_452 = tpu.memref_slice %arg7[%scan3A_324, %dma_wait3A_451] : memref<3x128xi32, #tpu.memory_space<vmem>> -> memref<1x128xi32, #tpu.memory_space<vmem>>
        %dma_wait3A_453 = tpu.memref_squeeze %dma_wait3A_452 : memref<1x128xi32, #tpu.memory_space<vmem>> -> memref<128xi32, #tpu.memory_space<vmem>>
        %dma_wait3A_454 = arith.constant 0 : i32
        %dma_wait3A_455 = tpu.memref_slice %arg3[%dma_wait3A_454] : memref<320000xi32, #tpu.memory_space<hbm>> -> memref<128xi32, #tpu.memory_space<hbm>>
        tpu.wait_dma2 semaphore(%arg11 : memref<!tpu.dma_semaphore, #tpu.memory_space<semaphore_mem>>) src(%dma_wait3A_455 : memref<128xi32, #tpu.memory_space<hbm>>) dst(%dma_wait3A_453 : memref<128xi32, #tpu.memory_space<vmem>>)
        %dma_wait3A_456 = arith.constant 0 : i32
        %dma_wait3A_457 = tpu.memref_slice %arg8[%scan3A_326, %dma_wait3A_456] : memref<3x128xi32, #tpu.memory_space<vmem>> -> memref<1x128xi32, #tpu.memory_space<vmem>>
        %dma_wait3A_458 = tpu.memref_squeeze %dma_wait3A_457 : memref<1x128xi32, #tpu.memory_space<vmem>> -> memref<128xi32, #tpu.memory_space<vmem>>
        %dma_wait3A_459 = arith.constant 0 : i32
        %dma_wait3A_460 = tpu.memref_slice %arg3[%dma_wait3A_459] : memref<320000xi32, #tpu.memory_space<hbm>> -> memref<128xi32, #tpu.memory_space<hbm>>
        %dma_wait3A_461 = arith.constant 0 : i32
        %dma_wait3A_462 = tpu.memref_slice %arg8[%scan3A_326, %dma_wait3A_461] : memref<3x128xi32, #tpu.memory_space<vmem>> -> memref<1x128xi32, #tpu.memory_space<vmem>>
        %dma_wait3A_463 = tpu.memref_squeeze %dma_wait3A_462 : memref<1x128xi32, #tpu.memory_space<vmem>> -> memref<128xi32, #tpu.memory_space<vmem>>
        %dma_wait3A_464 = arith.constant 0 : i32
        %dma_wait3A_465 = tpu.memref_slice %arg3[%dma_wait3A_464] : memref<320000xi32, #tpu.memory_space<hbm>> -> memref<128xi32, #tpu.memory_space<hbm>>
        tpu.wait_dma2 semaphore(%arg11 : memref<!tpu.dma_semaphore, #tpu.memory_space<semaphore_mem>>) src(%dma_wait3A_465 : memref<128xi32, #tpu.memory_space<hbm>>) dst(%dma_wait3A_463 : memref<128xi32, #tpu.memory_space<vmem>>)
        %dma_start3A_466 = arith.constant 0 : i32
        %dma_start3A_467 = arith.constant 0 : i32
        %dma_start3A_468 = tpu.memref_slice %arg9[%scan3A_325, %dma_start3A_466, %dma_start3A_467] : memref<3x128x128xf32, #tpu.memory_space<vmem>> -> memref<1x128x128xf32, #tpu.memory_space<vmem>>
        %dma_start3A_469 = tpu.memref_squeeze %dma_start3A_468 : memref<1x128x128xf32, #tpu.memory_space<vmem>> -> memref<128x128xf32, #tpu.memory_space<vmem>>
        %dma_start3A_470 = arith.constant 0 : i32
        %dma_start3A_471 = tpu.memref_slice %arg7[%scan3A_324, %dma_start3A_470] : memref<3x128xi32, #tpu.memory_space<vmem>> -> memref<1x128xi32, #tpu.memory_space<vmem>>
        %dma_start3A_472 = tpu.memref_squeeze %dma_start3A_471 : memref<1x128xi32, #tpu.memory_space<vmem>> -> memref<128xi32, #tpu.memory_space<vmem>>
        %dma_start3A_473 = arith.constant 0 : i32
        %dma_start3A_474 = arith.constant 0 : i32
        %dma_start3A_475 = tpu.memref_slice %arg2[%dma_start3A_473, %dma_start3A_474] : memref<10000x128xf32, #tpu.memory_space<hbm>> -> memref<10000x128xf32, #tpu.memory_space<hbm>>
        tpu.enqueue_indirect_dma source(%dma_start3A_475 : memref<10000x128xf32, #tpu.memory_space<hbm>>) target(%dma_start3A_469 : memref<128x128xf32, #tpu.memory_space<vmem>>) offsets(%dma_start3A_472 : memref<128xi32, #tpu.memory_space<vmem>>) semaphore(%arg14 : memref<!tpu.dma_semaphore, #tpu.memory_space<semaphore_mem>>)
      } else {
      }
      %dma_wait3A_392 = arith.constant 0 : i32
      %dma_wait3A_393 = arith.constant 0 : i32
      %dma_wait3A_394 = tpu.memref_slice %arg9[%scan3A_328, %dma_wait3A_392, %dma_wait3A_393] : memref<3x128x128xf32, #tpu.memory_space<vmem>> -> memref<1x128x128xf32, #tpu.memory_space<vmem>>
      %dma_wait3A_395 = tpu.memref_squeeze %dma_wait3A_394 : memref<1x128x128xf32, #tpu.memory_space<vmem>> -> memref<128x128xf32, #tpu.memory_space<vmem>>
      %dma_wait3A_396 = arith.constant 0 : i32
      %dma_wait3A_397 = tpu.memref_slice %arg7[%scan3A_327, %dma_wait3A_396] : memref<3x128xi32, #tpu.memory_space<vmem>> -> memref<1x128xi32, #tpu.memory_space<vmem>>
      %dma_wait3A_398 = tpu.memref_squeeze %dma_wait3A_397 : memref<1x128xi32, #tpu.memory_space<vmem>> -> memref<128xi32, #tpu.memory_space<vmem>>
      %dma_wait3A_399 = arith.constant 0 : i32
      %dma_wait3A_400 = arith.constant 0 : i32
      %dma_wait3A_401 = tpu.memref_slice %arg2[%dma_wait3A_399, %dma_wait3A_400] : memref<10000x128xf32, #tpu.memory_space<hbm>> -> memref<10000x128xf32, #tpu.memory_space<hbm>>
      tpu.wait_indirect_dma semaphore(%arg15 : memref<!tpu.dma_semaphore, #tpu.memory_space<semaphore_mem>>) src(%dma_wait3A_401 : memref<10000x128xf32, #tpu.memory_space<hbm>>) dst(%dma_wait3A_395 : memref<128x128xf32, #tpu.memory_space<vmem>>)
      %lt3A_402 = arith.cmpi slt, %add3A_384, %select_n3A : i32
      %convert_element_type3A_403 = arith.extui %lt3A_402 : i1 to i32
      %cond3A_404 = arith.constant 0 : i32
      %cond3A_405 = arith.cmpi ne, %convert_element_type3A_403, %cond3A_404 : i32
      scf.if %cond3A_405 {
        "tpu.region"() ({
          %run_scoped3A = tpu.sem_alloc : memref<!tpu.dma_semaphore, #tpu.memory_space<semaphore_mem>>
          %dma_start3A_446 = arith.constant 0 : i32
          %dma_start3A_447 = arith.constant 0 : i32
          %dma_start3A_448 = tpu.memref_slice %arg9[%scan3A_328, %dma_start3A_446, %dma_start3A_447] : memref<3x128x128xf32, #tpu.memory_space<vmem>> -> memref<1x128x128xf32, #tpu.memory_space<vmem>>
          %dma_start3A_449 = tpu.memref_squeeze %dma_start3A_448 : memref<1x128x128xf32, #tpu.memory_space<vmem>> -> memref<128x128xf32, #tpu.memory_space<vmem>>
          %dma_start3A_450 = arith.constant 0 : i32
          %dma_start3A_451 = tpu.memref_slice %arg8[%scan3A_329, %dma_start3A_450] : memref<3x128xi32, #tpu.memory_space<vmem>> -> memref<1x128xi32, #tpu.memory_space<vmem>>
          %dma_start3A_452 = tpu.memref_squeeze %dma_start3A_451 : memref<1x128xi32, #tpu.memory_space<vmem>> -> memref<128xi32, #tpu.memory_space<vmem>>
          %dma_start3A_453 = arith.constant 0 : i32
          %dma_start3A_454 = arith.constant 0 : i32
          %dma_start3A_455 = tpu.memref_slice %arg10[%dma_start3A_453, %dma_start3A_454] : memref<10112x128xf32, #tpu.memory_space<vmem_shared>> -> memref<10112x128xf32, #tpu.memory_space<vmem_shared>>
          tpu.enqueue_indirect_dma source(%dma_start3A_449 : memref<128x128xf32, #tpu.memory_space<vmem>>) target(%dma_start3A_455 : memref<10112x128xf32, #tpu.memory_space<vmem_shared>>) offsets(%dma_start3A_452 : memref<128xi32, #tpu.memory_space<vmem>>) semaphore(%run_scoped3A : memref<!tpu.dma_semaphore, #tpu.memory_space<semaphore_mem>>) {add = true}
          %dma_wait3A_456 = arith.constant 0 : i32
          %dma_wait3A_457 = arith.constant 0 : i32
          %dma_wait3A_458 = tpu.memref_slice %arg9[%scan3A_328, %dma_wait3A_456, %dma_wait3A_457] : memref<3x128x128xf32, #tpu.memory_space<vmem>> -> memref<1x128x128xf32, #tpu.memory_space<vmem>>
          %dma_wait3A_459 = tpu.memref_squeeze %dma_wait3A_458 : memref<1x128x128xf32, #tpu.memory_space<vmem>> -> memref<128x128xf32, #tpu.memory_space<vmem>>
          %dma_wait3A_460 = arith.constant 0 : i32
          %dma_wait3A_461 = tpu.memref_slice %arg8[%scan3A_329, %dma_wait3A_460] : memref<3x128xi32, #tpu.memory_space<vmem>> -> memref<1x128xi32, #tpu.memory_space<vmem>>
          %dma_wait3A_462 = tpu.memref_squeeze %dma_wait3A_461 : memref<1x128xi32, #tpu.memory_space<vmem>> -> memref<128xi32, #tpu.memory_space<vmem>>
          %dma_wait3A_463 = arith.constant 0 : i32
          %dma_wait3A_464 = arith.constant 0 : i32
          %dma_wait3A_465 = tpu.memref_slice %arg10[%dma_wait3A_463, %dma_wait3A_464] : memref<10112x128xf32, #tpu.memory_space<vmem_shared>> -> memref<10112x128xf32, #tpu.memory_space<vmem_shared>>
          tpu.wait_indirect_dma semaphore(%run_scoped3A : memref<!tpu.dma_semaphore, #tpu.memory_space<semaphore_mem>>) src(%dma_wait3A_459 : memref<128x128xf32, #tpu.memory_space<vmem>>) dst(%dma_wait3A_465 : memref<10112x128xf32, #tpu.memory_space<vmem_shared>>)
          tpu.yield
        }) : () -> ()
      } else {
      }
      %add3A_406 = arith.constant 3 : i32
      %add3A_407 = arith.addi %add3A_384, %add3A_406 : i32
      %lt3A_408 = arith.constant 81 : i32
      %lt3A_409 = arith.cmpi slt, %add3A_407, %lt3A_408 : i32
      %convert_element_type3A_410 = arith.extui %lt3A_409 : i1 to i32
      %cond3A_411 = arith.constant 0 : i32
      %cond3A_412 = arith.cmpi ne, %convert_element_type3A_410, %cond3A_411 : i32
      scf.if %cond3A_412 {
        %add3A_446 = arith.constant 3 : i32
        %add3A_447 = arith.addi %add3A_384, %add3A_446 : i32
        %mul3A_448 = arith.constant 32 : i32
        %mul3A_449 = arith.muli %add3A_447, %mul3A_448 : i32
        %add3A_450 = arith.addi %add3A, %mul3A_449 : i32
        %min3A_451 = arith.constant 2499 : i32
        %min3A_452 = arith.minsi %add3A_450, %min3A_451 : i32
        %mul3A_453 = arith.constant 128 : i32
        %mul3A_454 = arith.muli %min3A_452, %mul3A_453 : i32
        %multiple_of3A_455 = tpu.assume_multiple %mul3A_454, 128 : i32
        %dma_start3A_456 = arith.constant 0 : i32
        %dma_start3A_457 = tpu.memref_slice %arg7[%scan3A_327, %dma_start3A_456] : memref<3x128xi32, #tpu.memory_space<vmem>> -> memref<1x128xi32, #tpu.memory_space<vmem>>
        %dma_start3A_458 = tpu.memref_squeeze %dma_start3A_457 : memref<1x128xi32, #tpu.memory_space<vmem>> -> memref<128xi32, #tpu.memory_space<vmem>>
        %dma_start3A_459 = tpu.memref_slice %arg3[%multiple_of3A_455] : memref<320000xi32, #tpu.memory_space<hbm>> -> memref<128xi32, #tpu.memory_space<hbm>>
        %dma_start3A_460 = arith.constant 0 : i32
        %dma_start3A_461 = tpu.memref_slice %arg7[%scan3A_327, %dma_start3A_460] : memref<3x128xi32, #tpu.memory_space<vmem>> -> memref<1x128xi32, #tpu.memory_space<vmem>>
        %dma_start3A_462 = tpu.memref_squeeze %dma_start3A_461 : memref<1x128xi32, #tpu.memory_space<vmem>> -> memref<128xi32, #tpu.memory_space<vmem>>
        %dma_start3A_463 = tpu.memref_slice %arg3[%multiple_of3A_455] : memref<320000xi32, #tpu.memory_space<hbm>> -> memref<128xi32, #tpu.memory_space<hbm>>
        tpu.enqueue_dma source(%dma_start3A_463 : memref<128xi32, #tpu.memory_space<hbm>>) target(%dma_start3A_462 : memref<128xi32, #tpu.memory_space<vmem>>) target_semaphore(%arg12 : memref<!tpu.dma_semaphore, #tpu.memory_space<semaphore_mem>>)
        %dma_start3A_464 = arith.constant 0 : i32
        %dma_start3A_465 = tpu.memref_slice %arg8[%scan3A_329, %dma_start3A_464] : memref<3x128xi32, #tpu.memory_space<vmem>> -> memref<1x128xi32, #tpu.memory_space<vmem>>
        %dma_start3A_466 = tpu.memref_squeeze %dma_start3A_465 : memref<1x128xi32, #tpu.memory_space<vmem>> -> memref<128xi32, #tpu.memory_space<vmem>>
        %dma_start3A_467 = tpu.memref_slice %arg4[%multiple_of3A_455] : memref<320000xi32, #tpu.memory_space<hbm>> -> memref<128xi32, #tpu.memory_space<hbm>>
        %dma_start3A_468 = arith.constant 0 : i32
        %dma_start3A_469 = tpu.memref_slice %arg8[%scan3A_329, %dma_start3A_468] : memref<3x128xi32, #tpu.memory_space<vmem>> -> memref<1x128xi32, #tpu.memory_space<vmem>>
        %dma_start3A_470 = tpu.memref_squeeze %dma_start3A_469 : memref<1x128xi32, #tpu.memory_space<vmem>> -> memref<128xi32, #tpu.memory_space<vmem>>
        %dma_start3A_471 = tpu.memref_slice %arg4[%multiple_of3A_455] : memref<320000xi32, #tpu.memory_space<hbm>> -> memref<128xi32, #tpu.memory_space<hbm>>
        tpu.enqueue_dma source(%dma_start3A_471 : memref<128xi32, #tpu.memory_space<hbm>>) target(%dma_start3A_470 : memref<128xi32, #tpu.memory_space<vmem>>) target_semaphore(%arg12 : memref<!tpu.dma_semaphore, #tpu.memory_space<semaphore_mem>>)
      } else {
      }
      %mul3A_413 = arith.constant 3 : i32
      %mul3A_414 = arith.muli %scan3A_348, %mul3A_413 : i32
      %add3A_415 = arith.constant 2 : i32
      %add3A_416 = arith.addi %mul3A_414, %add3A_415 : i32
      %add3A_417 = arith.constant 2 : i32
      %add3A_418 = arith.addi %add3A_416, %add3A_417 : i32
      %lt3A_419 = arith.constant 81 : i32
      %lt3A_420 = arith.cmpi slt, %add3A_418, %lt3A_419 : i32
      %convert_element_type3A_421 = arith.extui %lt3A_420 : i1 to i32
      %cond3A_422 = arith.constant 0 : i32
      %cond3A_423 = arith.cmpi ne, %convert_element_type3A_421, %cond3A_422 : i32
      scf.if %cond3A_423 {
        %dma_wait3A_446 = arith.constant 0 : i32
        %dma_wait3A_447 = tpu.memref_slice %arg7[%scan3A_327, %dma_wait3A_446] : memref<3x128xi32, #tpu.memory_space<vmem>> -> memref<1x128xi32, #tpu.memory_space<vmem>>
        %dma_wait3A_448 = tpu.memref_squeeze %dma_wait3A_447 : memref<1x128xi32, #tpu.memory_space<vmem>> -> memref<128xi32, #tpu.memory_space<vmem>>
        %dma_wait3A_449 = arith.constant 0 : i32
        %dma_wait3A_450 = tpu.memref_slice %arg3[%dma_wait3A_449] : memref<320000xi32, #tpu.memory_space<hbm>> -> memref<128xi32, #tpu.memory_space<hbm>>
        %dma_wait3A_451 = arith.constant 0 : i32
        %dma_wait3A_452 = tpu.memref_slice %arg7[%scan3A_327, %dma_wait3A_451] : memref<3x128xi32, #tpu.memory_space<vmem>> -> memref<1x128xi32, #tpu.memory_space<vmem>>
        %dma_wait3A_453 = tpu.memref_squeeze %dma_wait3A_452 : memref<1x128xi32, #tpu.memory_space<vmem>> -> memref<128xi32, #tpu.memory_space<vmem>>
        %dma_wait3A_454 = arith.constant 0 : i32
        %dma_wait3A_455 = tpu.memref_slice %arg3[%dma_wait3A_454] : memref<320000xi32, #tpu.memory_space<hbm>> -> memref<128xi32, #tpu.memory_space<hbm>>
        tpu.wait_dma2 semaphore(%arg12 : memref<!tpu.dma_semaphore, #tpu.memory_space<semaphore_mem>>) src(%dma_wait3A_455 : memref<128xi32, #tpu.memory_space<hbm>>) dst(%dma_wait3A_453 : memref<128xi32, #tpu.memory_space<vmem>>)
        %dma_wait3A_456 = arith.constant 0 : i32
        %dma_wait3A_457 = tpu.memref_slice %arg8[%scan3A_329, %dma_wait3A_456] : memref<3x128xi32, #tpu.memory_space<vmem>> -> memref<1x128xi32, #tpu.memory_space<vmem>>
        %dma_wait3A_458 = tpu.memref_squeeze %dma_wait3A_457 : memref<1x128xi32, #tpu.memory_space<vmem>> -> memref<128xi32, #tpu.memory_space<vmem>>
        %dma_wait3A_459 = arith.constant 0 : i32
        %dma_wait3A_460 = tpu.memref_slice %arg3[%dma_wait3A_459] : memref<320000xi32, #tpu.memory_space<hbm>> -> memref<128xi32, #tpu.memory_space<hbm>>
        %dma_wait3A_461 = arith.constant 0 : i32
        %dma_wait3A_462 = tpu.memref_slice %arg8[%scan3A_329, %dma_wait3A_461] : memref<3x128xi32, #tpu.memory_space<vmem>> -> memref<1x128xi32, #tpu.memory_space<vmem>>
        %dma_wait3A_463 = tpu.memref_squeeze %dma_wait3A_462 : memref<1x128xi32, #tpu.memory_space<vmem>> -> memref<128xi32, #tpu.memory_space<vmem>>
        %dma_wait3A_464 = arith.constant 0 : i32
        %dma_wait3A_465 = tpu.memref_slice %arg3[%dma_wait3A_464] : memref<320000xi32, #tpu.memory_space<hbm>> -> memref<128xi32, #tpu.memory_space<hbm>>
        tpu.wait_dma2 semaphore(%arg12 : memref<!tpu.dma_semaphore, #tpu.memory_space<semaphore_mem>>) src(%dma_wait3A_465 : memref<128xi32, #tpu.memory_space<hbm>>) dst(%dma_wait3A_463 : memref<128xi32, #tpu.memory_space<vmem>>)
        %dma_start3A_466 = arith.constant 0 : i32
        %dma_start3A_467 = arith.constant 0 : i32
        %dma_start3A_468 = tpu.memref_slice %arg9[%scan3A_328, %dma_start3A_466, %dma_start3A_467] : memref<3x128x128xf32, #tpu.memory_space<vmem>> -> memref<1x128x128xf32, #tpu.memory_space<vmem>>
        %dma_start3A_469 = tpu.memref_squeeze %dma_start3A_468 : memref<1x128x128xf32, #tpu.memory_space<vmem>> -> memref<128x128xf32, #tpu.memory_space<vmem>>
        %dma_start3A_470 = arith.constant 0 : i32
        %dma_start3A_471 = tpu.memref_slice %arg7[%scan3A_327, %dma_start3A_470] : memref<3x128xi32, #tpu.memory_space<vmem>> -> memref<1x128xi32, #tpu.memory_space<vmem>>
        %dma_start3A_472 = tpu.memref_squeeze %dma_start3A_471 : memref<1x128xi32, #tpu.memory_space<vmem>> -> memref<128xi32, #tpu.memory_space<vmem>>
        %dma_start3A_473 = arith.constant 0 : i32
        %dma_start3A_474 = arith.constant 0 : i32
        %dma_start3A_475 = tpu.memref_slice %arg2[%dma_start3A_473, %dma_start3A_474] : memref<10000x128xf32, #tpu.memory_space<hbm>> -> memref<10000x128xf32, #tpu.memory_space<hbm>>
        tpu.enqueue_indirect_dma source(%dma_start3A_475 : memref<10000x128xf32, #tpu.memory_space<hbm>>) target(%dma_start3A_469 : memref<128x128xf32, #tpu.memory_space<vmem>>) offsets(%dma_start3A_472 : memref<128xi32, #tpu.memory_space<vmem>>) semaphore(%arg15 : memref<!tpu.dma_semaphore, #tpu.memory_space<semaphore_mem>>)
      } else {
      }
      %dma_wait3A_424 = arith.constant 0 : i32
      %dma_wait3A_425 = arith.constant 0 : i32
      %dma_wait3A_426 = tpu.memref_slice %arg9[%scan3A_323, %dma_wait3A_424, %dma_wait3A_425] : memref<3x128x128xf32, #tpu.memory_space<vmem>> -> memref<1x128x128xf32, #tpu.memory_space<vmem>>
      %dma_wait3A_427 = tpu.memref_squeeze %dma_wait3A_426 : memref<1x128x128xf32, #tpu.memory_space<vmem>> -> memref<128x128xf32, #tpu.memory_space<vmem>>
      %dma_wait3A_428 = arith.constant 0 : i32
      %dma_wait3A_429 = tpu.memref_slice %arg7[%scan3A_321, %dma_wait3A_428] : memref<3x128xi32, #tpu.memory_space<vmem>> -> memref<1x128xi32, #tpu.memory_space<vmem>>
      %dma_wait3A_430 = tpu.memref_squeeze %dma_wait3A_429 : memref<1x128xi32, #tpu.memory_space<vmem>> -> memref<128xi32, #tpu.memory_space<vmem>>
      %dma_wait3A_431 = arith.constant 0 : i32
      %dma_wait3A_432 = arith.constant 0 : i32
      %dma_wait3A_433 = tpu.memref_slice %arg2[%dma_wait3A_431, %dma_wait3A_432] : memref<10000x128xf32, #tpu.memory_space<hbm>> -> memref<10000x128xf32, #tpu.memory_space<hbm>>
      tpu.wait_indirect_dma semaphore(%arg16 : memref<!tpu.dma_semaphore, #tpu.memory_space<semaphore_mem>>) src(%dma_wait3A_433 : memref<10000x128xf32, #tpu.memory_space<hbm>>) dst(%dma_wait3A_427 : memref<128x128xf32, #tpu.memory_space<vmem>>)
      %lt3A_434 = arith.cmpi slt, %add3A_416, %select_n3A : i32
      %convert_element_type3A_435 = arith.extui %lt3A_434 : i1 to i32
      %cond3A_436 = arith.constant 0 : i32
      %cond3A_437 = arith.cmpi ne, %convert_element_type3A_435, %cond3A_436 : i32
      scf.if %cond3A_437 {
        "tpu.region"() ({
          %run_scoped3A = tpu.sem_alloc : memref<!tpu.dma_semaphore, #tpu.memory_space<semaphore_mem>>
          %dma_start3A_446 = arith.constant 0 : i32
          %dma_start3A_447 = arith.constant 0 : i32
          %dma_start3A_448 = tpu.memref_slice %arg9[%scan3A_323, %dma_start3A_446, %dma_start3A_447] : memref<3x128x128xf32, #tpu.memory_space<vmem>> -> memref<1x128x128xf32, #tpu.memory_space<vmem>>
          %dma_start3A_449 = tpu.memref_squeeze %dma_start3A_448 : memref<1x128x128xf32, #tpu.memory_space<vmem>> -> memref<128x128xf32, #tpu.memory_space<vmem>>
          %dma_start3A_450 = arith.constant 0 : i32
          %dma_start3A_451 = tpu.memref_slice %arg8[%scan3A_322, %dma_start3A_450] : memref<3x128xi32, #tpu.memory_space<vmem>> -> memref<1x128xi32, #tpu.memory_space<vmem>>
          %dma_start3A_452 = tpu.memref_squeeze %dma_start3A_451 : memref<1x128xi32, #tpu.memory_space<vmem>> -> memref<128xi32, #tpu.memory_space<vmem>>
          %dma_start3A_453 = arith.constant 0 : i32
          %dma_start3A_454 = arith.constant 0 : i32
          %dma_start3A_455 = tpu.memref_slice %arg10[%dma_start3A_453, %dma_start3A_454] : memref<10112x128xf32, #tpu.memory_space<vmem_shared>> -> memref<10112x128xf32, #tpu.memory_space<vmem_shared>>
          tpu.enqueue_indirect_dma source(%dma_start3A_449 : memref<128x128xf32, #tpu.memory_space<vmem>>) target(%dma_start3A_455 : memref<10112x128xf32, #tpu.memory_space<vmem_shared>>) offsets(%dma_start3A_452 : memref<128xi32, #tpu.memory_space<vmem>>) semaphore(%run_scoped3A : memref<!tpu.dma_semaphore, #tpu.memory_space<semaphore_mem>>) {add = true}
          %dma_wait3A_456 = arith.constant 0 : i32
          %dma_wait3A_457 = arith.constant 0 : i32
          %dma_wait3A_458 = tpu.memref_slice %arg9[%scan3A_323, %dma_wait3A_456, %dma_wait3A_457] : memref<3x128x128xf32, #tpu.memory_space<vmem>> -> memref<1x128x128xf32, #tpu.memory_space<vmem>>
          %dma_wait3A_459 = tpu.memref_squeeze %dma_wait3A_458 : memref<1x128x128xf32, #tpu.memory_space<vmem>> -> memref<128x128xf32, #tpu.memory_space<vmem>>
          %dma_wait3A_460 = arith.constant 0 : i32
          %dma_wait3A_461 = tpu.memref_slice %arg8[%scan3A_322, %dma_wait3A_460] : memref<3x128xi32, #tpu.memory_space<vmem>> -> memref<1x128xi32, #tpu.memory_space<vmem>>
          %dma_wait3A_462 = tpu.memref_squeeze %dma_wait3A_461 : memref<1x128xi32, #tpu.memory_space<vmem>> -> memref<128xi32, #tpu.memory_space<vmem>>
          %dma_wait3A_463 = arith.constant 0 : i32
          %dma_wait3A_464 = arith.constant 0 : i32
          %dma_wait3A_465 = tpu.memref_slice %arg10[%dma_wait3A_463, %dma_wait3A_464] : memref<10112x128xf32, #tpu.memory_space<vmem_shared>> -> memref<10112x128xf32, #tpu.memory_space<vmem_shared>>
          tpu.wait_indirect_dma semaphore(%run_scoped3A : memref<!tpu.dma_semaphore, #tpu.memory_space<semaphore_mem>>) src(%dma_wait3A_459 : memref<128x128xf32, #tpu.memory_space<vmem>>) dst(%dma_wait3A_465 : memref<10112x128xf32, #tpu.memory_space<vmem_shared>>)
          tpu.yield
        }) : () -> ()
      } else {
      }
      %add3A_438 = arith.constant 3 : i32
      %add3A_439 = arith.addi %add3A_416, %add3A_438 : i32
      %lt3A_440 = arith.constant 81 : i32
      %lt3A_441 = arith.cmpi slt, %add3A_439, %lt3A_440 : i32
      %convert_element_type3A_442 = arith.extui %lt3A_441 : i1 to i32
      %cond3A_443 = arith.constant 0 : i32
      %cond3A_444 = arith.cmpi ne, %convert_element_type3A_442, %cond3A_443 : i32
      scf.if %cond3A_444 {
        %add3A_446 = arith.constant 3 : i32
        %add3A_447 = arith.addi %add3A_416, %add3A_446 : i32
        %mul3A_448 = arith.constant 32 : i32
        %mul3A_449 = arith.muli %add3A_447, %mul3A_448 : i32
        %add3A_450 = arith.addi %add3A, %mul3A_449 : i32
        %min3A_451 = arith.constant 2499 : i32
        %min3A_452 = arith.minsi %add3A_450, %min3A_451 : i32
        %mul3A_453 = arith.constant 128 : i32
        %mul3A_454 = arith.muli %min3A_452, %mul3A_453 : i32
        %multiple_of3A_455 = tpu.assume_multiple %mul3A_454, 128 : i32
        %dma_start3A_456 = arith.constant 0 : i32
        %dma_start3A_457 = tpu.memref_slice %arg7[%scan3A_321, %dma_start3A_456] : memref<3x128xi32, #tpu.memory_space<vmem>> -> memref<1x128xi32, #tpu.memory_space<vmem>>
        %dma_start3A_458 = tpu.memref_squeeze %dma_start3A_457 : memref<1x128xi32, #tpu.memory_space<vmem>> -> memref<128xi32, #tpu.memory_space<vmem>>
        %dma_start3A_459 = tpu.memref_slice %arg3[%multiple_of3A_455] : memref<320000xi32, #tpu.memory_space<hbm>> -> memref<128xi32, #tpu.memory_space<hbm>>
        %dma_start3A_460 = arith.constant 0 : i32
        %dma_start3A_461 = tpu.memref_slice %arg7[%scan3A_321, %dma_start3A_460] : memref<3x128xi32, #tpu.memory_space<vmem>> -> memref<1x128xi32, #tpu.memory_space<vmem>>
        %dma_start3A_462 = tpu.memref_squeeze %dma_start3A_461 : memref<1x128xi32, #tpu.memory_space<vmem>> -> memref<128xi32, #tpu.memory_space<vmem>>
        %dma_start3A_463 = tpu.memref_slice %arg3[%multiple_of3A_455] : memref<320000xi32, #tpu.memory_space<hbm>> -> memref<128xi32, #tpu.memory_space<hbm>>
        tpu.enqueue_dma source(%dma_start3A_463 : memref<128xi32, #tpu.memory_space<hbm>>) target(%dma_start3A_462 : memref<128xi32, #tpu.memory_space<vmem>>) target_semaphore(%arg13 : memref<!tpu.dma_semaphore, #tpu.memory_space<semaphore_mem>>)
        %dma_start3A_464 = arith.constant 0 : i32
        %dma_start3A_465 = tpu.memref_slice %arg8[%scan3A_322, %dma_start3A_464] : memref<3x128xi32, #tpu.memory_space<vmem>> -> memref<1x128xi32, #tpu.memory_space<vmem>>
        %dma_start3A_466 = tpu.memref_squeeze %dma_start3A_465 : memref<1x128xi32, #tpu.memory_space<vmem>> -> memref<128xi32, #tpu.memory_space<vmem>>
        %dma_start3A_467 = tpu.memref_slice %arg4[%multiple_of3A_455] : memref<320000xi32, #tpu.memory_space<hbm>> -> memref<128xi32, #tpu.memory_space<hbm>>
        %dma_start3A_468 = arith.constant 0 : i32
        %dma_start3A_469 = tpu.memref_slice %arg8[%scan3A_322, %dma_start3A_468] : memref<3x128xi32, #tpu.memory_space<vmem>> -> memref<1x128xi32, #tpu.memory_space<vmem>>
        %dma_start3A_470 = tpu.memref_squeeze %dma_start3A_469 : memref<1x128xi32, #tpu.memory_space<vmem>> -> memref<128xi32, #tpu.memory_space<vmem>>
        %dma_start3A_471 = tpu.memref_slice %arg4[%multiple_of3A_455] : memref<320000xi32, #tpu.memory_space<hbm>> -> memref<128xi32, #tpu.memory_space<hbm>>
        tpu.enqueue_dma source(%dma_start3A_471 : memref<128xi32, #tpu.memory_space<hbm>>) target(%dma_start3A_470 : memref<128xi32, #tpu.memory_space<vmem>>) target_semaphore(%arg13 : memref<!tpu.dma_semaphore, #tpu.memory_space<semaphore_mem>>)
      } else {
      }
      %scan3A_445 = arith.constant 0 : i32
      scf.yield %scan3A_445 : i32
    }
    %scan3A_336 = arith.constant 27 : i32
    %barrier3A_337 = arith.constant 0 : index
    tpu.barrier barrier_id(%barrier3A_337)
    %mul3A_338 = arith.constant 632 : i32
    %mul3A_339 = arith.muli %arg1, %mul3A_338 : i32
    %multiple_of3A_340 = tpu.assume_multiple %mul3A_339, 632 : i32
    %eq3A = arith.constant 0 : i32
    %eq3A_341 = arith.cmpi eq, %arg0, %eq3A : i32
    %convert_element_type3A = arith.extui %eq3A_341 : i1 to i32
    %cond3A = arith.constant 0 : i32
    %cond3A_342 = arith.cmpi ne, %convert_element_type3A, %cond3A : i32
    scf.if %cond3A_342 {
      "tpu.region"() ({
        %run_scoped3A = tpu.sem_alloc : memref<!tpu.dma_semaphore, #tpu.memory_space<semaphore_mem>>
        %dma_start3A_348 = arith.constant 0 : i32
        %dma_start3A_349 = tpu.memref_slice %arg5[%multiple_of3A_340, %dma_start3A_348] : memref<10112x128xf32, #tpu.memory_space<hbm>> -> memref<632x128xf32, #tpu.memory_space<hbm>>
        %dma_start3A_350 = arith.constant 0 : i32
        %dma_start3A_351 = tpu.memref_slice %arg10[%multiple_of3A_340, %dma_start3A_350] : memref<10112x128xf32, #tpu.memory_space<vmem_shared>> -> memref<632x128xf32, #tpu.memory_space<vmem_shared>>
        tpu.enqueue_dma source(%dma_start3A_351 : memref<632x128xf32, #tpu.memory_space<vmem_shared>>) target(%dma_start3A_349 : memref<632x128xf32, #tpu.memory_space<hbm>>) target_semaphore(%run_scoped3A : memref<!tpu.dma_semaphore, #tpu.memory_space<semaphore_mem>>)
        %dma_wait3A_352 = arith.constant 0 : i32
        %dma_wait3A_353 = tpu.memref_slice %arg5[%multiple_of3A_340, %dma_wait3A_352] : memref<10112x128xf32, #tpu.memory_space<hbm>> -> memref<632x128xf32, #tpu.memory_space<hbm>>
        %dma_wait3A_354 = arith.constant 0 : i32
        %dma_wait3A_355 = tpu.memref_slice %arg10[%multiple_of3A_340, %dma_wait3A_354] : memref<10112x128xf32, #tpu.memory_space<vmem_shared>> -> memref<632x128xf32, #tpu.memory_space<vmem_shared>>
        tpu.wait_dma2 semaphore(%run_scoped3A : memref<!tpu.dma_semaphore, #tpu.memory_space<semaphore_mem>>) src(%dma_wait3A_355 : memref<632x128xf32, #tpu.memory_space<vmem_shared>>) dst(%dma_wait3A_353 : memref<632x128xf32, #tpu.memory_space<hbm>>)
        tpu.yield
      }) : () -> ()
    } else {
    }
    %eq3A_343 = arith.constant 1 : i32
    %eq3A_344 = arith.cmpi eq, %arg0, %eq3A_343 : i32
    %convert_element_type3A_345 = arith.extui %eq3A_344 : i1 to i32
    %cond3A_346 = arith.constant 0 : i32
    %cond3A_347 = arith.cmpi ne, %convert_element_type3A_345, %cond3A_346 : i32
    scf.if %cond3A_347 {
      "tpu.region"() ({
        %run_scoped3A = tpu.sem_alloc : memref<!tpu.dma_semaphore, #tpu.memory_space<semaphore_mem>>
        %dma_start3A_348 = arith.constant 0 : i32
        %dma_start3A_349 = tpu.memref_slice %arg6[%multiple_of3A_340, %dma_start3A_348] : memref<10112x128xf32, #tpu.memory_space<hbm>> -> memref<632x128xf32, #tpu.memory_space<hbm>>
        %dma_start3A_350 = arith.constant 0 : i32
        %dma_start3A_351 = tpu.memref_slice %arg10[%multiple_of3A_340, %dma_start3A_350] : memref<10112x128xf32, #tpu.memory_space<vmem_shared>> -> memref<632x128xf32, #tpu.memory_space<vmem_shared>>
        tpu.enqueue_dma source(%dma_start3A_351 : memref<632x128xf32, #tpu.memory_space<vmem_shared>>) target(%dma_start3A_349 : memref<632x128xf32, #tpu.memory_space<hbm>>) target_semaphore(%run_scoped3A : memref<!tpu.dma_semaphore, #tpu.memory_space<semaphore_mem>>)
        %dma_wait3A_352 = arith.constant 0 : i32
        %dma_wait3A_353 = tpu.memref_slice %arg6[%multiple_of3A_340, %dma_wait3A_352] : memref<10112x128xf32, #tpu.memory_space<hbm>> -> memref<632x128xf32, #tpu.memory_space<hbm>>
        %dma_wait3A_354 = arith.constant 0 : i32
        %dma_wait3A_355 = tpu.memref_slice %arg10[%multiple_of3A_340, %dma_wait3A_354] : memref<10112x128xf32, #tpu.memory_space<vmem_shared>> -> memref<632x128xf32, #tpu.memory_space<vmem_shared>>
        tpu.wait_dma2 semaphore(%run_scoped3A : memref<!tpu.dma_semaphore, #tpu.memory_space<semaphore_mem>>) src(%dma_wait3A_355 : memref<632x128xf32, #tpu.memory_space<vmem_shared>>) dst(%dma_wait3A_353 : memref<632x128xf32, #tpu.memory_space<hbm>>)
        tpu.yield
      }) : () -> ()
    } else {
    }
    return
  }
}

module attributes {stable_mosaic.version = 14 : i64} {
  func.func @_feat_body(%arg0: i32, %arg1: memref<1000x128xf32, #tpu.memory_space<vmem>>, %arg2: memref<1000x1xf32, #tpu.memory_space<vmem>>, %arg3: memref<1000x128xf32, #tpu.memory_space<vmem>>) attributes {dimension_semantics = [#tpu.dimension_semantics<arbitrary>], iteration_bounds = array<i64: 10>, scalar_prefetch = 0 : i64, scratch_operands = 0 : i64, tpu.core_type = #tpu.core_type<tc>, window_params = [{transform_indices = @transform_0, window_bounds = array<i64: 1000, 128>}, {transform_indices = @transform_1, window_bounds = array<i64: 1000, 1>}, {transform_indices = @transform_2, window_bounds = array<i64: 1000, 128>}]} {
    %get3A = arith.constant 0 : index
    %get3A_0 = arith.constant 0 : index
    %get3A_1 = vector.load %arg2[%get3A, %get3A_0] : memref<1000x1xf32, #tpu.memory_space<vmem>>, vector<1000x1xf32>
    %max3A = arith.constant 1.000000e+00 : f32
    %max3A_2 = vector.broadcast %max3A : f32 to vector<1000x1xf32>
    %max3A_3 = arith.maximumf %get3A_1, %max3A_2 : vector<1000x1xf32>
    %rsqrt3A = math.rsqrt %max3A_3 : vector<1000x1xf32>
    %get3A_4 = arith.constant 0 : index
    %get3A_5 = arith.constant 0 : index
    %get3A_6 = vector.load %arg1[%get3A_4, %get3A_5] : memref<1000x128xf32, #tpu.memory_space<vmem>>, vector<1000x128xf32>
    %mul3A = vector.broadcast %rsqrt3A : vector<1000x1xf32> to vector<1000x128xf32>
    %mul3A_7 = arith.mulf %get3A_6, %mul3A : vector<1000x128xf32>
    %swap3A = arith.constant 0 : index
    %swap3A_8 = arith.constant 0 : index
    %swap3A_9 = vector.load %arg3[%swap3A, %swap3A_8] : memref<1000x128xf32, #tpu.memory_space<vmem>>, vector<1000x128xf32>
    tpu.vector_store %arg3[%swap3A, %swap3A_8], %mul3A_7 {strides = array<i32>} : memref<1000x128xf32, #tpu.memory_space<vmem>>, vector<1000x128xf32>,
    return
  }
  func.func @transform_0(%arg0: i32) -> (i32, i32) {
    %c0_i32 = arith.constant 0 : i32
    %c0_i32_0 = arith.constant 0 : i32
    return %arg0, %c0_i32 : i32, i32
  }
  func.func @transform_1(%arg0: i32) -> (i32, i32) {
    %c0_i32 = arith.constant 0 : i32
    %c0_i32_0 = arith.constant 0 : i32
    return %arg0, %c0_i32 : i32, i32
  }
  func.func @transform_2(%arg0: i32) -> (i32, i32) {
    %c0_i32 = arith.constant 0 : i32
    %c0_i32_0 = arith.constant 0 : i32
    return %arg0, %c0_i32 : i32, i32
  }
}

module attributes {stable_mosaic.version = 14 : i64} {
  func.func @_final_body(%arg0: i32, %arg1: memref<1000x128xf32, #tpu.memory_space<vmem>>, %arg2: memref<1000x128xf32, #tpu.memory_space<vmem>>, %arg3: memref<1000x1xf32, #tpu.memory_space<vmem>>, %arg4: memref<128x128xf32, #tpu.memory_space<vmem>>, %arg5: memref<1x128xf32, #tpu.memory_space<vmem>>, %arg6: memref<1000x128xf32, #tpu.memory_space<vmem>>) attributes {dimension_semantics = [#tpu.dimension_semantics<arbitrary>], iteration_bounds = array<i64: 10>, scalar_prefetch = 0 : i64, scratch_operands = 0 : i64, tpu.core_type = #tpu.core_type<tc>, window_params = [{transform_indices = @transform_0, window_bounds = array<i64: 1000, 128>}, {transform_indices = @transform_1, window_bounds = array<i64: 1000, 128>}, {transform_indices = @transform_2, window_bounds = array<i64: 1000, 1>}, {pipeline_mode = #tpu.pipeline_mode<synchronous>, transform_indices = @transform_3, window_bounds = array<i64: 128, 128>}, {pipeline_mode = #tpu.pipeline_mode<synchronous>, transform_indices = @transform_4, window_bounds = array<i64: 1, 128>}, {transform_indices = @transform_5, window_bounds = array<i64: 1000, 128>}]} {
    %get3A = arith.constant 0 : index
    %get3A_0 = arith.constant 0 : index
    %get3A_1 = vector.load %arg3[%get3A, %get3A_0] : memref<1000x1xf32, #tpu.memory_space<vmem>>, vector<1000x1xf32>
    %max3A = arith.constant 1.000000e+00 : f32
    %max3A_2 = vector.broadcast %max3A : f32 to vector<1000x1xf32>
    %max3A_3 = arith.maximumf %get3A_1, %max3A_2 : vector<1000x1xf32>
    %rsqrt3A = math.rsqrt %max3A_3 : vector<1000x1xf32>
    %get3A_4 = arith.constant 0 : index
    %get3A_5 = arith.constant 0 : index
    %get3A_6 = vector.load %arg1[%get3A_4, %get3A_5] : memref<1000x128xf32, #tpu.memory_space<vmem>>, vector<1000x128xf32>
    %get3A_7 = arith.constant 0 : index
    %get3A_8 = arith.constant 0 : index
    %get3A_9 = vector.load %arg2[%get3A_7, %get3A_8] : memref<1000x128xf32, #tpu.memory_space<vmem>>, vector<1000x128xf32>
    %add3A = arith.addf %get3A_6, %get3A_9 : vector<1000x128xf32>
    %mul3A = vector.broadcast %rsqrt3A : vector<1000x1xf32> to vector<1000x128xf32>
    %mul3A_10 = arith.mulf %add3A, %mul3A : vector<1000x128xf32>
    %get3A_11 = arith.constant 0 : index
    %get3A_12 = arith.constant 0 : index
    %get3A_13 = vector.load %arg4[%get3A_11, %get3A_12] : memref<128x128xf32, #tpu.memory_space<vmem>>, vector<128x128xf32>
    %dot_general3A = arith.constant dense<0.000000e+00> : vector<1000x128xf32>
    %dot_general3A_14 = tpu.matmul %mul3A_10, %get3A_13, %dot_general3A {dimension_numbers = #tpu.dot_dimension_numbers<[1], [0], [0], [1], [0, 0, 1, 1], [], []>, transpose_lhs_hint = false} : vector<1000x128xf32>, vector<128x128xf32>, vector<1000x128xf32> -> vector<1000x128xf32>
    %get3A_15 = arith.constant 0 : index
    %get3A_16 = arith.constant 0 : index
    %get3A_17 = vector.load %arg5[%get3A_15, %get3A_16] : memref<1x128xf32, #tpu.memory_space<vmem>>, vector<1x128xf32>
    %add3A_18 = vector.broadcast %get3A_17 : vector<1x128xf32> to vector<1000x128xf32>
    %add3A_19 = arith.addf %dot_general3A_14, %add3A_18 : vector<1000x128xf32>
    %swap3A = arith.constant 0 : index
    %swap3A_20 = arith.constant 0 : index
    %swap3A_21 = vector.load %arg6[%swap3A, %swap3A_20] : memref<1000x128xf32, #tpu.memory_space<vmem>>, vector<1000x128xf32>
    tpu.vector_store %arg6[%swap3A, %swap3A_20], %add3A_19 {strides = array<i32>} : memref<1000x128xf32, #tpu.memory_space<vmem>>, vector<1000x128xf32>,
    return
  }
  func.func @transform_0(%arg0: i32) -> (i32, i32) {
    %c0_i32 = arith.constant 0 : i32
    %c0_i32_0 = arith.constant 0 : i32
    return %arg0, %c0_i32 : i32, i32
  }
  func.func @transform_1(%arg0: i32) -> (i32, i32) {
    %c0_i32 = arith.constant 0 : i32
    %c0_i32_0 = arith.constant 0 : i32
    return %arg0, %c0_i32 : i32, i32
  }
  func.func @transform_2(%arg0: i32) -> (i32, i32) {
    %c0_i32 = arith.constant 0 : i32
    %c0_i32_0 = arith.constant 0 : i32
    return %arg0, %c0_i32 : i32, i32
  }
  func.func @transform_3(%arg0: i32) -> (i32, i32) {
    %c0_i32 = arith.constant 0 : i32
    %c0_i32_0 = arith.constant 0 : i32
    %c0_i32_1 = arith.constant 0 : i32
    return %c0_i32, %c0_i32_0 : i32, i32
  }
  func.func @transform_4(%arg0: i32) -> (i32, i32) {
    %c0_i32 = arith.constant 0 : i32
    %c0_i32_0 = arith.constant 0 : i32
    %c0_i32_1 = arith.constant 0 : i32
    return %c0_i32, %c0_i32_0 : i32, i32
  }
  func.func @transform_5(%arg0: i32) -> (i32, i32) {
    %c0_i32 = arith.constant 0 : i32
    %c0_i32_0 = arith.constant 0 : i32
    return %arg0, %c0_i32 : i32, i32
  }
}

</mosaic_0001>

<sc_bundles>
// kernel: kernel.6.cloned.1.call-start
scs
__scs_entry_jumppad:
0x0: {  	(pc) =	sbr.rel $0x88, $3  }
0x1: {  	(tag) =	ssettag $0x0;
	lr =	simm.s32 $0x1  }
0x2: {  	[smem:$0x3F9D] =	sst lr;
	_ =	strace $0xD0000000  }
0x3: {  	_ = 	snop  }
0x4: {  	_ = 	snop  }
0x5: {  	_ = 	snop  }
0x6: {  	_ = 	snop  }
0x7: {  	_ = 	snop  }
__scs_overlays_trampoline_lowered:
0x8: {  	[smem:$0x3FAC] =	sst s0  }
0x9: {  	[smem:$0x3FAD] =	sst s1  }
0xa: {  	[smem:$0x3FAE] =	sst s2  }
0xb: {  	[smem:$0x3FAF] =	sst s3  }
0xc: {  	[smem:$0x3FB0] =	sst s4  }
0xd: {  	[smem:$0x3FB1] =	sst s5  }
0xe: {  	[smem:$0x3FB2] =	sst s6  }
0xf: {  	[smem:$0x3FB3] =	sst s7  }
0x10: {  	[smem:$0x3FB4] =	sst s8  }
0x11: {  	[smem:$0x3FB5] =	sst s9;
	s0 =	simm.s32 @!p0 $0x0  }
0x12: {  	s1 =	sld [smem:$0x3F9B];
	s0 =	simm.s32 @p0 $0x1  }
0x13: {  	[smem:$0x3FB6] =	sst s0;
	s0 =	simm.s32 @!p1 $0x0  }
0x14: {  	s2 =	sld [smem:$0x3F9A];
	s0 =	simm.s32 @p1 $0x1  }
0x15: {  	[smem:$0x3FB7] =	sst s0;
	s0 =	simm.s32 @!p2 $0x0  }
0x16: {  	s3 =	sld [smem:$0x3FDB];
	s0 =	simm.s32 @p2 $0x1  }
0x17: {  	s4 =	simm.s32 $0x1BF5;
	[smem:$0x3FB9] =	sst s0  }
0x18: {  	s0 =	sld [smem:$0x3F9C];
	_ =	swait.ge [sflag:s4], $0x0  }
0x19: {  	s7 =	sld [smem:$0x3F9D]  }
0x1a: {  	s8 =	sadd.s32 $0xFFFFE003, lr  }
0x1b: {  	s9 =	sadd.s32 $0xFFFFFEF7, lr;
	s5 =	simm.s32 $0xFFFFFFFF;
	p2 =	slt.u32 s8, $0xFFFFF086  }
0x1c: {  	p1 =	slt.u32 s9, $0xF7A;
	s5 =	simm.s32 @!p2 $0x0  }
0x1d: {  	s5 =	simm.s32 @p1 $0x1;
	p0 =	seq.s32 s7, s2  }
0x1e: {  	s7 =	smul.u32 @!p0 $0xF7A, s2;
	p2 =	seq.s32 @!p0 s5, $0x0  }
0x1f: {  	s9 =	smul.u32 $0xF7A, s1;
	s8 =	simm.s32 @!p0 $0x1BF5;
	p2 =	por !p2, p0  }
0x20: {  	[sflag:s8] =	ssyncset.s32 @!p0 $0xFFFFF086;
	s6 =	sadd.s32 @!p0 s3, s7;
	s7 =	simm.s32 @!p0 $0x108  }
0x21: {  	s3 =	sadd.s32 s3, s9;
	s6 =	sadd.s32 @!p0 $0x88, s6;
	s7 =	simm.s32 @p2 $0x1082  }
0x22: {  	[simem:s7], [sflag:s8] =	dma.local @!p0 [hbm:s6], $0xF7A  }
0x23: {  	s9 =	sor.u32 $0xD0000000, s2;
	s6 =	simm.s32 $0x108;
	_ =	swait.ge @!p0 [sflag:s8], $0x0  }
0x24: {  	s3 =	sadd.s32 $0x88, s3;
	s6 =	simm.s32 @!p1 $0x1082;
	[sflag:s4] =	ssyncset.s32 $0xFFFFF086  }
0x25: {  	[simem:s6], [sflag:s4] =	dma.local [hbm:s3], $0xF7A  }
0x26: {  	[smem:$0x3F9D] =	sst s1;
	(tag) =	ssettag s2;
	_ =	strace s9  }
0x27: {  	s1 =	sld [smem:$0x3FAD]  }
0x28: {  	s2 =	sld [smem:$0x3FAE]  }
0x29: {  	s4 =	sld [smem:$0x3FB0]  }
0x2a: {  	p0 =	seq.s32 s5, $0x0;
	s5 =	sld [smem:$0x3FB1]  }
0x2b: {  	s6 =	sld [smem:$0x3FB2]  }
0x2c: {  	s7 =	sld [smem:$0x3FB3]  }
0x2d: {  	s3 =	simm.s32 $0x108;
	s8 =	sld [smem:$0x3FB4]  }
0x2e: {  	s3 =	simm.s32 @!p0 $0x1082;
	s9 =	sld [smem:$0x3FB5]  }
0x2f: {  	lr =	sadd.s32 s0, s3;
	s0 =	sld [smem:$0x3FAC]  }
0x30: {  	s3 =	sld [smem:$0x3FAF]  }
0x31: {  	[smem:$0x3FB8] =	sst s10  }
0x32: {  	s10 =	sld [smem:$0x3FB6];
	_ =	sdelay $0x3  }
0x33: {  	p0 =	seq.s32 s10, $0x1;
	s10 =	sld [smem:$0x3FB8];
	_ =	sdelay $0x3  }
0x34: {  	[smem:$0x3FB8] =	sst s10  }
0x35: {  	s10 =	sld [smem:$0x3FB7];
	_ =	sdelay $0x3  }
0x36: {  	p1 =	seq.s32 s10, $0x1;
	s10 =	sld [smem:$0x3FB8];
	_ =	sdelay $0x3  }
0x37: {  	[smem:$0x3FB8] =	sst s10  }
0x38: {  	s10 =	sld [smem:$0x3FB9]  }
0x39: {  	_ = 	snop;
	(pc) =	sbr.ind lr, $3  }
0x3a: {  	_ = 	snop  }
0x3b: {  	_ = 	snop  }
0x3c: {  	p2 =	seq.s32 s10, $0x1;
	s10 =	sld [smem:$0x3FB8]  }
0x3d: {  	_ =	shalt  }
0x3e: {  	_ =	shalt  }
0x3f: {  	_ =	shalt  }
0x40: {  	_ =	shalt  }
0x41: {  	_ =	shalt  }
0x42: {  	_ =	shalt  }
0x43: {  	_ =	shalt  }
0x44: {  	_ =	shalt  }
0x45: {  	_ =	shalt  }
0x46: {  	_ =	shalt  }
0x47: {  	_ =	shalt  }
0x48: {  	_ =	shalt  }
0x49: {  	_ =	shalt  }
0x4a: {  	_ =	shalt  }
0x4b: {  	_ =	shalt  }
0x4c: {  	_ =	shalt  }
0x4d: {  	_ =	shalt  }
0x4e: {  	_ =	shalt  }
0x4f: {  	_ =	shalt  }
0x50: {  	_ =	shalt  }
0x51: {  	_ =	shalt  }
0x52: {  	_ =	shalt  }
0x53: {  	_ =	shalt  }
0x54: {  	_ =	shalt  }
0x55: {  	_ =	shalt  }
0x56: {  	_ =	shalt  }
0x57: {  	_ =	shalt  }
0x58: {  	_ =	shalt  }
0x59: {  	_ =	shalt  }
0x5a: {  	_ =	shalt  }
0x5b: {  	_ =	shalt  }
0x5c: {  	_ =	shalt  }
0x5d: {  	_ =	shalt  }
0x5e: {  	_ =	shalt  }
0x5f: {  	_ =	shalt  }
0x60: {  	_ =	shalt  }
0x61: {  	_ =	shalt  }
0x62: {  	_ =	shalt  }
0x63: {  	_ =	shalt  }
0x64: {  	_ =	shalt  }
0x65: {  	_ =	shalt  }
0x66: {  	_ =	shalt  }
0x67: {  	_ =	shalt  }
0x68: {  	_ =	shalt  }
0x69: {  	_ =	shalt  }
0x6a: {  	_ =	shalt  }
0x6b: {  	_ =	shalt  }
0x6c: {  	_ =	shalt  }
0x6d: {  	_ =	shalt  }
0x6e: {  	_ =	shalt  }
0x6f: {  	_ =	shalt  }
0x70: {  	_ =	shalt  }
0x71: {  	_ =	shalt  }
0x72: {  	_ =	shalt  }
0x73: {  	_ =	shalt  }
0x74: {  	_ =	shalt  }
0x75: {  	_ =	shalt  }
0x76: {  	_ =	shalt  }
0x77: {  	_ =	shalt  }
0x78: {  	_ =	shalt  }
0x79: {  	_ =	shalt  }
0x7a: {  	_ =	shalt  }
0x7b: {  	_ =	shalt  }
0x7c: {  	_ =	shalt  }
0x7d: {  	_ =	shalt  }
0x7e: {  	_ =	shalt  }
0x7f: {  	_ =	shalt  }
0x80: {  	_ =	shalt  }
0x81: {  	_ =	shalt  }
0x82: {  	_ =	shalt  }
0x83: {  	_ =	shalt  }
0x84: {  	_ =	shalt  }
0x85: {  	_ =	shalt  }
0x86: {  	_ =	shalt  }
0x87: {  	_ =	shalt  }
.Lfunc_end0:
.L_simem_size_0:
called_computation_lowered:
.L_overlay_start_0:
0x88: {  	s2 =	sld [smem:$0x3FD9]  }
0x89: {  	s3 =	sld [smem:$0x3FFE];
	_ =	sdelay $0x1  }
0x8a: {  	s1 =	srdreg.scid  }
0x8b: {  	s0 =	sand.u32 $0x1, s1  }
0x8c: {  	s17 =	sshll.u32 s0, $0xA;
	s2 =	sadd.s32 s3, s2  }
0x8d: {  	s2 =	sadd.s32 s2, s17  }
0x8e: {  	[smem:$0x3FC4] =	sst s2  }
0x8f: {  	_ = 	snop  }
0x90: {  	s2 =	sld [smem:$0x3FD0];
	(tm) =	ssettm $0x1  }
0x91: {  	s18 =	sld [smem:$0x3FFB];
	_ =	sdelay $0x3  }
0x92: {  	_ =	strace s18  }
0x93: {  	s3 =	sld [smem:$0x3FFC];
	_ =	sdelay $0x3  }
0x94: {  	_ =	strace s3  }
0x95: {  	s3 =	sld [smem:$0x3FFD];
	_ =	sdelay $0x3  }
0x96: {  	_ =	strace s3  }
0x97: {  	_ =	strace $0x8FFFFFFF  }
0x98: {  	s19 =	sld [smem:$0x3FDB];
	_ =	sdelay $0x1  }
0x99: {  	s4 =	simm.s32 $_scs_section_size  }
0x9a: {  	s5 =	simm.s32 $_size__tile_overlayer_lowered;
	s6 =	simm.s32 $_tile_overlayer_lowered  }
0x9b: {  	s22 =	simm.s32 $0x1BFF;
	s21 =	sshll.u32 s6, $0x1;
	s3 =	sadd.s32 s4, s19  }
0x9c: {  	s7 =	simm.s32 $0x0;
	s20 =	sshll.u32 s5, $0x1;
	s5 =	sadd.s32 s21, s3  }
0x9d: {  	[timem:s7], [sflag:s22] =	dma.local [hbm:s5], s20  }
0x9e: {  	_ =	swait.ge [sflag:s22], s20  }
0x9f: {  	s4 =	ssub.s32 $0x0, s20;
	[sflag:s22] =	ssyncset.done $0x0  }
0xa0: {  	[sflag:s22] =	ssyncadd.s32 s4;
	_ =	sdelay $0x1  }
0xa1: {  	s23 =	simm.s32 $0x1B8B  }
0xa2: {  	_ =	swait.ge [sflag:s23], $0x1  }
0xa3: {  	[sflag:s23] =	ssyncset.done $0x0  }
0xa4: {  	s25 =	simm.s32 $0x1B8E;
	s24 =	sld [smem:$0x3FFE];
	[sflag:s23] =	ssyncadd.s32 $0xFFFFFFFF  }
0xa5: {  	s26 =	simm.s32 $execute0_lowered;
	[smem:$0x3FD2] =	sst s25  }
0xa6: {  	s5 =	sshll.u32 s26, $0x1;
	_ =	strace $0x80000046;
	[dreg:$0x1] =	wrdreg $0xFFFFFFFF  }
0xa7: {  	s28 =	simm.s32 $_size_execute0_lowered;
	s3 =	sadd.s32 s3, s5;
	[dreg:$0x0] =	wrdreg $0x0  }
0xa8: {  	s5 =	sshll.u32 s28, $0x1;
	[dreg:$0x2] =	wrdreg s3  }
0xa9: {  	[dreg:$0x3] =	wrdreg s5  }
0xaa: {  	[dreg:$0x4] =	wrdreg $0xC0  }
0xab: {  	_ =	task [dreg:s7], $0x5FFFF  }
0xac: {  	[dreg:$0x1] =	wrdreg $0xFFFFFFFF  }
0xad: {  	[dreg:$0x0] =	wrdreg $0x60  }
0xae: {  	[dreg:$0x2] =	wrdreg s24  }
0xaf: {  	[dreg:$0x3] =	wrdreg s2  }
0xb0: {  	[dreg:$0x4] =	wrdreg $0x53000  }
0xb1: {  	[dreg:$0x5] =	wrdreg $0x9  }
0xb2: {  	_ =	task.clear_ibuf [dreg:s7], $0x6FFFF;
	_ =	strace $0x90000046  }
0xb3: {  	s29 =	simm.s32 $0x9;
	_ =	strace $0x80000048  }
0xb4: {  	_ =	swait.ge [sflag:s29], $0x1  }
0xb5: {  	[sflag:s29] =	ssyncadd.s32 $0xFFFFFFFF  }
0xb6: {  	_ =	strace $0x90000048  }
0xb7: {  	_ =	sfence  }
0xb8: {  	s30 =	sld [smem:$0x0];
	_ =	sdelay $0x2  }
0xb9: {  	s31 =	sshll.u32 s1, $0xD;
	s1 =	sshrl.u32 s1, $0x2  }
0xba: {  	s3 =	sand.u32 $0x4000, s31;
	s1 =	sadd.s32 s1, s30  }
0xbb: {  	s0 =	sor.u32 s3, s0;
	s1 =	sshll.u32 s1, $0x11  }
0xbc: {  	s0 =	sor.u32 s1, s0  }
0xbd: {  	s0 =	sadd.s32 $0x8F2B, s0  }
0xbe: {  	[sflag:s0] =	ssyncadd.remote.s32 $0x1  }
0xbf: {  	_ =	sfence.sel $0xFFFF  }
0xc0: {  	[dreg:$0x0] =	wrdreg $0xFFFFFFFF;
	(pc) =	sbr.abs _section_cstart, $3  }
0xc1: {  	[dreg:$0x1] =	wrdreg $0xFFFFFFFF  }
0xc2: {  	_ =	task.clear_ibuf [dreg:s7], $0x2FFFF;
	_ =	strace $0x9FFFFFFF  }
0xc3: {  	(tm) =	ssettm $0x7FFFFFFF  }
tec
execute0_lowered:
.L_overlay_start_1:
0x0: {  	(tag) =	ssettag $0x1  }
0x1: {  	s6 =	rddreg [dreg:$0x0]  }
0x2: {  	s9 =	rddreg [dreg:$0x1]  }
0x3: {  	s1 =	rddreg [dreg:$0x2]  }
0x4: {  	s0 =	rddreg [dreg:$0x3];
	s2 =	simm.s32 $0x0;
	s3 =	srdreg.scid  }
0x5: {  	s13 =	simm.s32 $0x0;
	[smem:$0x7FF] =	sst s2;
	s10 =	sand.u32 $0x1, s3  }
0x6: {  	s4 =	sadd.s32 $0xBA00, s6;
	s3 =	stileid.u32;
	s5 =	sadd.s32 $0x1C00, s6  }
0x7: {  	s12 =	sadd.s32 $0x15800, s6;
	_ =	strace $0x80000047;
	s7 =	ssub.s32 $0x2, s10  }
0x8: {  	s11 =	smul.u32 $0x280, s3;
	s31 =	ssub.s32 $0x9D3, s3;
	p0 =	seq.s32 s10, $0x0  }
0x9: {  	s8 =	sshrl.u32 s7, $0x1;
	s12 =	smov.u32 @p0 s9;
	p0 =	sne.s32 s10, $0x0  }
0xa: {  	s10 =	simm.s32 $0x5080;
	s8 =	ssub.s32 s7, s8;
	s6 =	sadd.s32 s11, s1  }
0xb: {  	s7 =	sshrl.u32 s31, $0x4;
	s11 =	sshrl.u32 s11, $0x3;
	s8 =	smax.u32 s8, $0x1  }
0xc: {  	v0 =	vimm.f32 $1.000000000e+00;
	v1 =	vimm.f32 $0.0e+00;
	s9 =	sadd.s32 s12, s11;
	s11 =	simm.s32 $0x2;
	s12 =	simm.s32 $0x1  }
.LBB2_1:
0xd: {  	[tilespmem:$0x5000] =	vst v0  }
0xe: {  	[tilespmem:$0x5010] =	vst v0  }
0xf: {  	[tilespmem:$0x5020] =	vst v0  }
0x10: {  	[tilespmem:$0x5030] =	vst v0  }
0x11: {  	[tilespmem:$0x5040] =	vst v0  }
0x12: {  	[tilespmem:$0x5050] =	vst v0  }
0x13: {  	[tilespmem:$0x5060] =	vst v0  }
0x14: {  	[tilespmem:$0x5070] =	vst v0  }
0x15: {  	[tilespmem:$0x5080] =	vst v1  }
0x16: {  	[tilespmem:$0x5090] =	vst v1  }
0x17: {  	[tilespmem:$0x50A0] =	vst v1  }
0x18: {  	[tilespmem:$0x50B0] =	vst v1  }
0x19: {  	[tilespmem:$0x50C0] =	vst v1  }
0x1a: {  	[tilespmem:$0x50D0] =	vst v1  }
0x1b: {  	[tilespmem:$0x50E0] =	vst v1  }
0x1c: {  	[tilespmem:$0x50F0] =	vst v1  }
0x1d: {  	[tilespmem:$0x5100] =	vst v1  }
0x1e: {  	[tilespmem:$0x5110] =	vst v1  }
0x1f: {  	[tilespmem:$0x5120] =	vst v1  }
0x20: {  	[tilespmem:$0x5130] =	vst v1  }
0x21: {  	[tilespmem:$0x5140] =	vst v1  }
0x22: {  	[tilespmem:$0x5150] =	vst v1  }
0x23: {  	[tilespmem:$0x5160] =	vst v1  }
0x24: {  	[tilespmem:$0x5170] =	vst v1  }
0x25: {  	[tilespmem:$0x5180] =	vst v1  }
0x26: {  	[tilespmem:$0x5190] =	vst v1  }
0x27: {  	[tilespmem:$0x51A0] =	vst v1  }
0x28: {  	[tilespmem:$0x51B0] =	vst v1  }
0x29: {  	[tilespmem:$0x51C0] =	vst v1  }
0x2a: {  	[tilespmem:$0x51D0] =	vst v1  }
0x2b: {  	[tilespmem:$0x51E0] =	vst v1  }
0x2c: {  	[tilespmem:$0x51F0] =	vst v1  }
0x2d: {  	[tilespmem:$0x5200] =	vst v1  }
0x2e: {  	[tilespmem:$0x5210] =	vst v1  }
0x2f: {  	[tilespmem:$0x5220] =	vst v1  }
0x30: {  	[tilespmem:$0x5230] =	vst v1  }
0x31: {  	[tilespmem:$0x5240] =	vst v1  }
0x32: {  	[tilespmem:$0x5250] =	vst v1  }
0x33: {  	[tilespmem:$0x5260] =	vst v1  }
0x34: {  	[tilespmem:$0x5270] =	vst v1  }
0x35: {  	[tilespmem:$0x5280] =	vst v1  }
0x36: {  	[tilespmem:$0x5290] =	vst v1  }
0x37: {  	[tilespmem:$0x52A0] =	vst v1  }
0x38: {  	[tilespmem:$0x52B0] =	vst v1  }
0x39: {  	[tilespmem:$0x52C0] =	vst v1  }
0x3a: {  	[tilespmem:$0x52D0] =	vst v1  }
0x3b: {  	[tilespmem:$0x52E0] =	vst v1  }
.Ltmp0:
0x3c: {  	[tilespmem:$0x52F0] =	vst v1;
	s14 =	sadd.s32 s2, s3;
	(pc) =	sbr.rel @p0 .LBB2_7-.Ltmp0, $4  }
0x3d: {  	[spmem:s6] =	stream.linear.scatter [tilespmem:s10], [sflag:$0x2], $0x280, $0x38;
	[tilespmem:$0x5580] =	vst v63  }
0x3e: {  	p1 =	slt.s32 s14, $0x9C3;
	_ =	swait.ge [sflag:s11], $0x280  }
0x3f: {  	s14 =	simm.s32 @!p1 $0x9C3;
	[sflag:s11] =	ssyncset.done $0x0  }
0x40: {  	s14 =	sshll.u32 s14, $0x4;
	[sflag:s11] =	ssyncadd.s32 $0xFFFFFD80  }
0x41: {  	s14 =	sadd.s32 s4, s14  }
0x42: {  	[tilespmem:s2], [sflag:$0x1] =	stream.linear.gather [hbm4b:s14+s2], $0x80, $0x38;
	[tilespmem:$0x5580] =	vst v63  }
0x43: {  	s15 =	simm.s32 $0x0;
	s14 =	sadd.s32 $0x10, s2  }
.LBB2_3:
0x44: {  	s16 =	sadd.s32 s14, s3;
	p1 =	sne.s32 s14, $0x9C0;
	s14 =	sadd.s32 $0x10, s14  }
.Ltmp1:
0x45: {  	p2 =	slt.s32 s16, $0x9C3;
	(pc) =	sbr.rel @p1 .LBB2_3-.Ltmp1, $4  }
0x46: {  	s16 =	simm.s32 @!p2 $0x9C3  }
0x47: {  	s16 =	sshll.u32 s16, $0x4  }
0x48: {  	s15 =	sadd.s32 $0x80, s15;
	s16 =	sadd.s32 s4, s16  }
0x49: {  	[tilespmem:s15], [sflag:$0x1] =	stream.linear.gather [hbm4b:s16+s2], $0x80, $0x38;
	[tilespmem:$0x5580] =	vst v63  }
0x4a: {  	_ =	swait.ge [sflag:s12], $0x80  }
0x4b: {  	s14 =	simm.s32 $0x9C;
	[sflag:s12] =	ssyncset.done $0x0  }
.LBB2_5:
0x4c: {  	p1 =	seq.s32 s14, $0x1;
	s14 =	sadd.s32 $0xFFFFFFFF, s14;
	[sflag:s12] =	ssyncadd.s32 $0xFFFFFF80  }
.Ltmp2:
0x4d: {  	(pc) =	sbr.rel @!p1 .LBB2_5-.Ltmp2, $3  }
0x4e: {  	_ =	sdelay $0x1  }
0x4f: {  	_ =	swait.ge [sflag:s12], $0x80  }
0x50: {  	[sflag:s12] =	ssyncset.done $0x0  }
.Ltmp3:
0x51: {  	(pc) =	sbr.rel .LBB2_12-.Ltmp3, $2  }
0x52: {  	_ =	sdelay $0x2  }
0x53: {  	[sflag:s12] =	ssyncadd.s32 $0xFFFFFF80  }
.LBB2_7:
0x54: {  	s14 =	sadd.s32 s5, s14  }
0x55: {  	[tilespmem:s2], [sflag:$0x1] =	stream.linear.gather [hbm4b:s14+s2], $0x80, $0x38;
	[tilespmem:$0x5580] =	vst v63  }
0x56: {  	s15 =	simm.s32 $0x0;
	s14 =	sadd.s32 $0x10, s2  }
.LBB2_8:
0x57: {  	s16 =	sadd.s32 s14, s3;
	p1 =	sne.s32 s14, $0x9C0;
	s14 =	sadd.s32 $0x10, s14  }
.Ltmp4:
0x58: {  	p2 =	slt.s32 s16, $0x9C3;
	(pc) =	sbr.rel @p1 .LBB2_8-.Ltmp4, $4  }
0x59: {  	s16 =	simm.s32 @!p2 $0x9C3  }
0x5a: {  	s16 =	sshll.u32 s16, $0x4  }
0x5b: {  	s15 =	sadd.s32 $0x80, s15;
	s16 =	sadd.s32 s5, s16  }
0x5c: {  	[tilespmem:s15], [sflag:$0x1] =	stream.linear.gather [hbm4b:s16+s2], $0x80, $0x38;
	[tilespmem:$0x5580] =	vst v63  }
0x5d: {  	_ =	swait.ge [sflag:s12], $0x80  }
0x5e: {  	s14 =	simm.s32 $0x9C;
	[sflag:s12] =	ssyncset.done $0x0  }
.LBB2_10:
0x5f: {  	p1 =	sne.s32 s14, $0x1;
	s14 =	sadd.s32 $0xFFFFFFFF, s14;
	[sflag:s12] =	ssyncadd.s32 $0xFFFFFF80  }
.Ltmp5:
0x60: {  	(pc) =	sbr.rel @p1 .LBB2_10-.Ltmp5, $3  }
0x61: {  	_ =	sdelay $0x1  }
0x62: {  	_ =	swait.ge [sflag:s12], $0x80  }
0x63: {  	[sflag:s12] =	ssyncset.done $0x0  }
0x64: {  	[sflag:s12] =	ssyncadd.s32 $0xFFFFFF80  }
.LBB2_12:
0x65: {  	[bflag:$0x0] =	sbarrier.arrive $0xFFFF;
	s14 =	simm.s32 $0x0;
	p1 =	sle.u32 s7, $0x0  }
0x66: {  	s15 =	simm.s32 @!p1 $0x80;
	s17 =	simm.s32 @!p1 $0x5000;
	s16 =	simm.s32 @!p1 $0x2  }
0x67: {  	[spmem:s1] =	stream.indirect.scatter.add.f32 @!p1 [tilespmem:s17], [sflag:$0x2], $0x1, s14, s15, $0xb8;
	[tilespmem:$0x5580] =	vst v63  }
0x68: {  	_ =	swait.ge @!p1 [sflag:s16], $0x80  }
0x69: {  	s15 =	simm.s32 $0x1;
	[sflag:s16] =	ssyncset.done @!p1 $0x0  }
.LBB2_13:
0x6a: {  	[sflag:s16] =	ssyncadd.s32 @!p1 $0xFFFFFF80;
	s16 =	smov.u32 s15;
	s15 =	sadd.s32 $0x1, s15  }
0x6b: {  	s14 =	sadd.s32 $0x80, s14;
	p2 =	sne.s32 s15, $0x9D  }
.Ltmp6:
0x6c: {  	p1 =	sge.u32 s16, s7;
	(pc) =	sbr.rel @p2 .LBB2_13-.Ltmp6, $4  }
0x6d: {  	s17 =	simm.s32 @!p1 $0x80;
	s18 =	simm.s32 @!p1 $0x5000;
	s16 =	simm.s32 @!p1 $0x2  }
0x6e: {  	[spmem:s1] =	stream.indirect.scatter.add.f32 @!p1 [tilespmem:s18], [sflag:$0x2], $0x1, s14, s17, $0xb8;
	[tilespmem:$0x5580] =	vst v63  }
0x6f: {  	_ =	swait.ge @!p1 [sflag:s16], $0x80  }
0x70: {  	[sflag:s16] =	ssyncset.done @!p1 $0x0  }
0x71: {  	[sflag:s16] =	ssyncadd.s32 @!p1 $0xFFFFFF80  }
0x72: {  	[bflag:$0x0] =	sbarrier.arrive $0xFFFF  }
0x73: {  	[tilespmem:s10], [sflag:$0x2] =	stream.linear.gather [spmem:s6], $0x280, $0x38;
	[tilespmem:$0x5580] =	vst v63  }
0x74: {  	s13 =	sadd.s32 $0x1, s13;
	_ =	swait.ge [sflag:s11], $0x280  }
0x75: {  	p1 =	sne.s32 s13, s8;
	[sflag:s11] =	ssyncset.done $0x0  }
.Ltmp7:
0x76: {  	[sflag:s11] =	ssyncadd.s32 $0xFFFFFD80;
	(pc) =	sbr.rel @p1 .LBB2_1-.Ltmp7, $4  }
0x77: {  	[hbm4b:s9+s2] =	stream.linear.scatter [tilespmem:s10], [sflag:$0x2], $0x280, $0x38;
	[tilespmem:$0x5580] =	vst v63  }
0x78: {  	_ =	swait.ge [sflag:s11], $0x280  }
0x79: {  	[sflag:s11] =	ssyncset.done $0x0  }
0x7a: {  	[sflag:s11] =	ssyncadd.s32 $0xFFFFFD80  }
0x7b: {  	_ =	sfence.sel $0x180000  }
0x7c: {  	[bflag:$0x0] =	sbarrier.arrive $0xFFFF  }
0x7d: {  	p0 =	sne.s32 s3, $0x0;
	_ =	strace $0x90000047  }
0x7e: {  	s0 =	sadd.s32 @!p0 $0x100000, s0;
	[bflag:$0x2] =	sbarrier.arrive $0xFFFF  }
0x7f: {  	[sflag:s0] =	ssyncadd.tile.s32 @!p0 $0x1;
	_ =	shalt  }
.Lfunc_end2:
_tile_overlayer_lowered:
.L_overlay_start_2:
0x80: {  	(tag) =	ssettag $0x2  }
0x81: {  	s0 =	rddreg [dreg:$0x0];
	s2 =	stileid.u32  }
0x82: {  	s1 =	rddreg [dreg:$0x1];
	p0 =	sne.s32 s2, $0x0  }
0x83: {  	s3 =	rddreg [dreg:$0x2];
	[bflag:$0x3] =	sbarrier.arrive $0xFFFF;
	s2 =	simm.s32 @!p0 $0x1C02  }
0x84: {  	[timem:s3], [sflag:s2] =	dma.local @!p0 [hbm:s0], s1  }
0x85: {  	s0 =	simm.s32 @!p0 $0x2  }
0x86: {  	_ =	swait.ge @!p0 [sflag:s0], s1  }
0x87: {  	s1 =	ssub.s32 @!p0 $0x0, s1;
	[sflag:s0] =	ssyncset.done @!p0 $0x0  }
0x88: {  	[sflag:s0] =	ssyncadd.s32 @!p0 s1  }
0x89: {  	[bflag:$0x3] =	sbarrier.arrive $0xFFFF  }
0x8a: {  	_ =	shalt  }

// kernel: kernel.9.cloned.1.call-start
scs
__scs_entry_jumppad:
0x0: {  	(pc) =	sbr.rel $0x88, $3  }
0x1: {  	(tag) =	ssettag $0x0;
	lr =	simm.s32 $0x1  }
0x2: {  	[smem:$0x3F9D] =	sst lr;
	_ =	strace $0xD0000000  }
0x3: {  	_ = 	snop  }
0x4: {  	_ = 	snop  }
0x5: {  	_ = 	snop  }
0x6: {  	_ = 	snop  }
0x7: {  	_ = 	snop  }
__scs_overlays_trampoline_lowered:
0x8: {  	[smem:$0x3FAC] =	sst s0  }
0x9: {  	[smem:$0x3FAD] =	sst s1  }
0xa: {  	[smem:$0x3FAE] =	sst s2  }
0xb: {  	[smem:$0x3FAF] =	sst s3  }
0xc: {  	[smem:$0x3FB0] =	sst s4  }
0xd: {  	[smem:$0x3FB1] =	sst s5  }
0xe: {  	[smem:$0x3FB2] =	sst s6  }
0xf: {  	[smem:$0x3FB3] =	sst s7  }
0x10: {  	[smem:$0x3FB4] =	sst s8  }
0x11: {  	[smem:$0x3FB5] =	sst s9;
	s0 =	simm.s32 @!p0 $0x0  }
0x12: {  	s1 =	sld [smem:$0x3F9B];
	s0 =	simm.s32 @p0 $0x1  }
0x13: {  	[smem:$0x3FB6] =	sst s0;
	s0 =	simm.s32 @!p1 $0x0  }
0x14: {  	s2 =	sld [smem:$0x3F9A];
	s0 =	simm.s32 @p1 $0x1  }
0x15: {  	[smem:$0x3FB7] =	sst s0;
	s0 =	simm.s32 @!p2 $0x0  }
0x16: {  	s3 =	sld [smem:$0x3FDB];
	s0 =	simm.s32 @p2 $0x1  }
0x17: {  	s4 =	simm.s32 $0x1BF5;
	[smem:$0x3FB9] =	sst s0  }
0x18: {  	s0 =	sld [smem:$0x3F9C];
	_ =	swait.ge [sflag:s4], $0x0  }
0x19: {  	s7 =	sld [smem:$0x3F9D]  }
0x1a: {  	s8 =	sadd.s32 $0xFFFFE003, lr  }
0x1b: {  	s9 =	sadd.s32 $0xFFFFFEF7, lr;
	s5 =	simm.s32 $0xFFFFFFFF;
	p2 =	slt.u32 s8, $0xFFFFF086  }
0x1c: {  	p1 =	slt.u32 s9, $0xF7A;
	s5 =	simm.s32 @!p2 $0x0  }
0x1d: {  	s5 =	simm.s32 @p1 $0x1;
	p0 =	seq.s32 s7, s2  }
0x1e: {  	s7 =	smul.u32 @!p0 $0xF7A, s2;
	p2 =	seq.s32 @!p0 s5, $0x0  }
0x1f: {  	s9 =	smul.u32 $0xF7A, s1;
	s8 =	simm.s32 @!p0 $0x1BF5;
	p2 =	por !p2, p0  }
0x20: {  	[sflag:s8] =	ssyncset.s32 @!p0 $0xFFFFF086;
	s6 =	sadd.s32 @!p0 s3, s7;
	s7 =	simm.s32 @!p0 $0x108  }
0x21: {  	s3 =	sadd.s32 s3, s9;
	s6 =	sadd.s32 @!p0 $0x88, s6;
	s7 =	simm.s32 @p2 $0x1082  }
0x22: {  	[simem:s7], [sflag:s8] =	dma.local @!p0 [hbm:s6], $0xF7A  }
0x23: {  	s9 =	sor.u32 $0xD0000000, s2;
	s6 =	simm.s32 $0x108;
	_ =	swait.ge @!p0 [sflag:s8], $0x0  }
0x24: {  	s3 =	sadd.s32 $0x88, s3;
	s6 =	simm.s32 @!p1 $0x1082;
	[sflag:s4] =	ssyncset.s32 $0xFFFFF086  }
0x25: {  	[simem:s6], [sflag:s4] =	dma.local [hbm:s3], $0xF7A  }
0x26: {  	[smem:$0x3F9D] =	sst s1;
	(tag) =	ssettag s2;
	_ =	strace s9  }
0x27: {  	s1 =	sld [smem:$0x3FAD]  }
0x28: {  	s2 =	sld [smem:$0x3FAE]  }
0x29: {  	s4 =	sld [smem:$0x3FB0]  }
0x2a: {  	p0 =	seq.s32 s5, $0x0;
	s5 =	sld [smem:$0x3FB1]  }
0x2b: {  	s6 =	sld [smem:$0x3FB2]  }
0x2c: {  	s7 =	sld [smem:$0x3FB3]  }
0x2d: {  	s3 =	simm.s32 $0x108;
	s8 =	sld [smem:$0x3FB4]  }
0x2e: {  	s3 =	simm.s32 @!p0 $0x1082;
	s9 =	sld [smem:$0x3FB5]  }
0x2f: {  	lr =	sadd.s32 s0, s3;
	s0 =	sld [smem:$0x3FAC]  }
0x30: {  	s3 =	sld [smem:$0x3FAF]  }
0x31: {  	[smem:$0x3FB8] =	sst s10  }
0x32: {  	s10 =	sld [smem:$0x3FB6];
	_ =	sdelay $0x3  }
0x33: {  	p0 =	seq.s32 s10, $0x1;
	s10 =	sld [smem:$0x3FB8];
	_ =	sdelay $0x3  }
0x34: {  	[smem:$0x3FB8] =	sst s10  }
0x35: {  	s10 =	sld [smem:$0x3FB7];
	_ =	sdelay $0x3  }
0x36: {  	p1 =	seq.s32 s10, $0x1;
	s10 =	sld [smem:$0x3FB8];
	_ =	sdelay $0x3  }
0x37: {  	[smem:$0x3FB8] =	sst s10  }
0x38: {  	s10 =	sld [smem:$0x3FB9]  }
0x39: {  	_ = 	snop;
	(pc) =	sbr.ind lr, $3  }
0x3a: {  	_ = 	snop  }
0x3b: {  	_ = 	snop  }
0x3c: {  	p2 =	seq.s32 s10, $0x1;
	s10 =	sld [smem:$0x3FB8]  }
0x3d: {  	_ =	shalt  }
0x3e: {  	_ =	shalt  }
0x3f: {  	_ =	shalt  }
0x40: {  	_ =	shalt  }
0x41: {  	_ =	shalt  }
0x42: {  	_ =	shalt  }
0x43: {  	_ =	shalt  }
0x44: {  	_ =	shalt  }
0x45: {  	_ =	shalt  }
0x46: {  	_ =	shalt  }
0x47: {  	_ =	shalt  }
0x48: {  	_ =	shalt  }
0x49: {  	_ =	shalt  }
0x4a: {  	_ =	shalt  }
0x4b: {  	_ =	shalt  }
0x4c: {  	_ =	shalt  }
0x4d: {  	_ =	shalt  }
0x4e: {  	_ =	shalt  }
0x4f: {  	_ =	shalt  }
0x50: {  	_ =	shalt  }
0x51: {  	_ =	shalt  }
0x52: {  	_ =	shalt  }
0x53: {  	_ =	shalt  }
0x54: {  	_ =	shalt  }
0x55: {  	_ =	shalt  }
0x56: {  	_ =	shalt  }
0x57: {  	_ =	shalt  }
0x58: {  	_ =	shalt  }
0x59: {  	_ =	shalt  }
0x5a: {  	_ =	shalt  }
0x5b: {  	_ =	shalt  }
0x5c: {  	_ =	shalt  }
0x5d: {  	_ =	shalt  }
0x5e: {  	_ =	shalt  }
0x5f: {  	_ =	shalt  }
0x60: {  	_ =	shalt  }
0x61: {  	_ =	shalt  }
0x62: {  	_ =	shalt  }
0x63: {  	_ =	shalt  }
0x64: {  	_ =	shalt  }
0x65: {  	_ =	shalt  }
0x66: {  	_ =	shalt  }
0x67: {  	_ =	shalt  }
0x68: {  	_ =	shalt  }
0x69: {  	_ =	shalt  }
0x6a: {  	_ =	shalt  }
0x6b: {  	_ =	shalt  }
0x6c: {  	_ =	shalt  }
0x6d: {  	_ =	shalt  }
0x6e: {  	_ =	shalt  }
0x6f: {  	_ =	shalt  }
0x70: {  	_ =	shalt  }
0x71: {  	_ =	shalt  }
0x72: {  	_ =	shalt  }
0x73: {  	_ =	shalt  }
0x74: {  	_ =	shalt  }
0x75: {  	_ =	shalt  }
0x76: {  	_ =	shalt  }
0x77: {  	_ =	shalt  }
0x78: {  	_ =	shalt  }
0x79: {  	_ =	shalt  }
0x7a: {  	_ =	shalt  }
0x7b: {  	_ =	shalt  }
0x7c: {  	_ =	shalt  }
0x7d: {  	_ =	shalt  }
0x7e: {  	_ =	shalt  }
0x7f: {  	_ =	shalt  }
0x80: {  	_ =	shalt  }
0x81: {  	_ =	shalt  }
0x82: {  	_ =	shalt  }
0x83: {  	_ =	shalt  }
0x84: {  	_ =	shalt  }
0x85: {  	_ =	shalt  }
0x86: {  	_ =	shalt  }
0x87: {  	_ =	shalt  }
.Lfunc_end0:
.L_simem_size_0:
called_computation.1_lowered:
.L_overlay_start_0:
0x88: {  	s2 =	sld [smem:$0x3FD9]  }
0x89: {  	s3 =	sld [smem:$0x3FFE];
	_ =	sdelay $0x1  }
0x8a: {  	s1 =	srdreg.scid  }
0x8b: {  	s0 =	sand.u32 $0x1, s1  }
0x8c: {  	s17 =	sshll.u32 s0, $0xA;
	s2 =	sadd.s32 s3, s2  }
0x8d: {  	s2 =	sadd.s32 s2, s17  }
0x8e: {  	[smem:$0x3FC4] =	sst s2  }
0x8f: {  	_ = 	snop  }
0x90: {  	s2 =	sld [smem:$0x3FD0];
	(tm) =	ssettm $0x1  }
0x91: {  	s18 =	sld [smem:$0x3FFB];
	_ =	sdelay $0x3  }
0x92: {  	_ =	strace s18  }
0x93: {  	s3 =	sld [smem:$0x3FFC];
	_ =	sdelay $0x3  }
0x94: {  	_ =	strace s3  }
0x95: {  	s3 =	sld [smem:$0x3FFD];
	_ =	sdelay $0x3  }
0x96: {  	_ =	strace s3  }
0x97: {  	_ =	strace $0x8FFFFFFF  }
0x98: {  	s19 =	sld [smem:$0x3FDB];
	_ =	sdelay $0x1  }
0x99: {  	s4 =	simm.s32 $_scs_section_size  }
0x9a: {  	s5 =	simm.s32 $_size__tile_overlayer_lowered;
	s6 =	simm.s32 $_tile_overlayer_lowered  }
0x9b: {  	s22 =	simm.s32 $0x1BFF;
	s21 =	sshll.u32 s6, $0x1;
	s3 =	sadd.s32 s4, s19  }
0x9c: {  	s7 =	simm.s32 $0x0;
	s20 =	sshll.u32 s5, $0x1;
	s5 =	sadd.s32 s21, s3  }
0x9d: {  	[timem:s7], [sflag:s22] =	dma.local [hbm:s5], s20  }
0x9e: {  	_ =	swait.ge [sflag:s22], s20  }
0x9f: {  	s4 =	ssub.s32 $0x0, s20;
	[sflag:s22] =	ssyncset.done $0x0  }
0xa0: {  	[sflag:s22] =	ssyncadd.s32 s4;
	_ =	sdelay $0x1  }
0xa1: {  	s23 =	simm.s32 $0x1B8B  }
0xa2: {  	_ =	swait.ge [sflag:s23], $0x1  }
0xa3: {  	[sflag:s23] =	ssyncset.done $0x0  }
0xa4: {  	s25 =	simm.s32 $0x1B8E;
	s24 =	sld [smem:$0x3FFE];
	[sflag:s23] =	ssyncadd.s32 $0xFFFFFFFF  }
0xa5: {  	s26 =	simm.s32 $execute0_lowered;
	[smem:$0x3FD2] =	sst s25  }
0xa6: {  	s5 =	sshll.u32 s26, $0x1;
	_ =	strace $0x80000049;
	[dreg:$0x1] =	wrdreg $0xFFFFFFFF  }
0xa7: {  	s28 =	simm.s32 $_size_execute0_lowered;
	s3 =	sadd.s32 s3, s5;
	[dreg:$0x0] =	wrdreg $0x0  }
0xa8: {  	s5 =	sshll.u32 s28, $0x1;
	[dreg:$0x2] =	wrdreg s3  }
0xa9: {  	[dreg:$0x3] =	wrdreg s5  }
0xaa: {  	[dreg:$0x4] =	wrdreg $0xC0  }
0xab: {  	_ =	task [dreg:s7], $0x5FFFF  }
0xac: {  	[dreg:$0x1] =	wrdreg $0xFFFFFFFF  }
0xad: {  	[dreg:$0x0] =	wrdreg $0x60  }
0xae: {  	[dreg:$0x2] =	wrdreg s2  }
0xaf: {  	[dreg:$0x3] =	wrdreg s24  }
0xb0: {  	[dreg:$0x4] =	wrdreg $0xC4000  }
0xb1: {  	[dreg:$0x5] =	wrdreg $0x9  }
0xb2: {  	_ =	task.clear_ibuf [dreg:s7], $0x6FFFF;
	_ =	strace $0x90000049  }
0xb3: {  	s29 =	simm.s32 $0x9;
	_ =	strace $0x8000004B  }
0xb4: {  	_ =	swait.ge [sflag:s29], $0x1  }
0xb5: {  	[sflag:s29] =	ssyncadd.s32 $0xFFFFFFFF  }
0xb6: {  	_ =	strace $0x9000004B  }
0xb7: {  	_ =	sfence  }
0xb8: {  	s30 =	sld [smem:$0x0];
	_ =	sdelay $0x2  }
0xb9: {  	s31 =	sshll.u32 s1, $0xD;
	s1 =	sshrl.u32 s1, $0x2  }
0xba: {  	s3 =	sand.u32 $0x4000, s31;
	s1 =	sadd.s32 s1, s30  }
0xbb: {  	s0 =	sor.u32 s3, s0;
	s1 =	sshll.u32 s1, $0x11  }
0xbc: {  	s0 =	sor.u32 s1, s0  }
0xbd: {  	s0 =	sadd.s32 $0x8F2B, s0  }
0xbe: {  	[sflag:s0] =	ssyncadd.remote.s32 $0x1  }
0xbf: {  	_ =	sfence.sel $0xFFFF  }
0xc0: {  	[dreg:$0x0] =	wrdreg $0xFFFFFFFF;
	(pc) =	sbr.abs _section_cstart, $3  }
0xc1: {  	[dreg:$0x1] =	wrdreg $0xFFFFFFFF  }
0xc2: {  	_ =	task.clear_ibuf [dreg:s7], $0x2FFFF;
	_ =	strace $0x9FFFFFFF  }
0xc3: {  	(tm) =	ssettm $0x7FFFFFFF  }
tec
execute0_lowered:
.L_overlay_start_1:
0x0: {  	(tag) =	ssettag $0x1  }
0x1: {  	s1 =	rddreg [dreg:$0x0]  }
0x2: {  	s0 =	rddreg [dreg:$0x1]  }
0x3: {  	s2 =	rddreg [dreg:$0x2];
	s4 =	simm.s32 $0x0  }
0x4: {  	s3 =	srdreg.scid;
	s12 =	stileid.u32;
	s29 =	simm.s32 $0x100  }
0x5: {  	s30 =	simm.s32 $0x300;
	s31 =	simm.s32 $0x2;
	s28 =	simm.s32 $0x4  }
0x6: {  	[smem:$0x7FF] =	sst s4;
	s3 =	sand.u32 $0x1, s3;
	s7 =	smul.u32 $0x4F000, s12  }
0x7: {  	s5 =	sadd.s32 $0xBA00, s0;
	s6 =	sadd.s32 $0x1C00, s0;
	s10 =	sshll.u32 s12, $0x1  }
0x8: {  	s25 =	smul.u32 $0x2780, s12;
	_ =	strace $0x8000004A;
	s8 =	ssub.s32 $0x2, s3  }
0x9: {  	p0 =	seq.s32 s3, $0x1;
	s9 =	sshrl.u32 s8, $0x1;
	s11 =	sshrl.u32 s7, $0x2  }
0xa: {  	s7 =	sor.u32 s3, s10;
	s3 =	simm.s32 $0x3D600;
	s9 =	ssub.s32 s8, s9  }
0xb: {  	s8 =	sadd.s32 s11, s2;
	s19 =	ssub.s32 $0x9E3, s7;
	s20 =	sshll.u32 s7, $0x4  }
0xc: {  	s3 =	simm.s32 @!p0 $0x15E00;
	s15 =	sadd.s32 $0x4000, s8;
	s16 =	sadd.s32 $0x8000, s8  }
0xd: {  	s17 =	sadd.s32 $0xC000, s8;
	s18 =	sadd.s32 $0x10000, s8;
	[dreg:$0x4] =	wrdreg s15  }
0xe: {  	s13 =	sshrl.u32 s19, $0x5;
	s21 =	sadd.s32 s5, s20;
	[dreg:$0x5] =	wrdreg s16  }
0xf: {  	s22 =	sor.u32 $0x200, s20;
	s14 =	sadd.s32 s6, s20;
	[dreg:$0x6] =	wrdreg s17  }
0x10: {  	s24 =	sor.u32 $0x400, s20;
	s0 =	sadd.s32 s3, s0;
	[dreg:$0x7] =	wrdreg s18  }
0x11: {  	s26 =	smax.u32 s9, $0x1;
	s3 =	simm.s32 $0x3;
	[dreg:$0x8] =	wrdreg s21  }
0x12: {  	s9 =	simm.s32 $0x6;
	[dreg:$0x9] =	wrdreg s14;
	s23 =	sadd.s32 s5, s22  }
0x13: {  	s10 =	sadd.s32 s6, s22;
	s11 =	sadd.s32 s5, s24;
	[dreg:$0xe] =	wrdreg s26  }
.Ltmp0:
0x14: {  	s20 =	sadd.s32 $0xFFFFFFFE, s13;
	[dreg:$0xa] =	wrdreg s23;
	(pc) =	sbr.rel .LBB2_1-.Ltmp0, $4  }
0x15: {  	s22 =	sadd.s32 s0, s25;
	s26 =	simm.s32 $0x80;
	[dreg:$0xb] =	wrdreg s10  }
0x16: {  	s25 =	simm.s32 $0x8400;
	s0 =	simm.s32 $0x5;
	[dreg:$0xc] =	wrdreg s11  }
0x17: {  	s10 =	sadd.s32 s6, s24;
	s23 =	simm.s32 $0x400;
	s24 =	simm.s32 $0x1  }
0x18: {  	v0 =	vimm.f32 $0.0e+00;
	s11 =	simm.s32 $0x0;
	[dreg:$0xd] =	wrdreg s10;
	s10 =	simm.s32 $0x7  }
.LBB2_6:
0x19: {  	s12 =	stileid.u32  }
0x1a: {  	s12 =	sshll.u32 s12, $0x6  }
0x1b: {  	[bflag:$0x0] =	sbarrier.arrive $0xFFFF;
	s14 =	sshrl.u32 s8, $0x3;
	s12 =	sor.u32 $0x1C07, s12  }
0x1c: {  	[hbm:s22], [sflag:s12] =	dma.local [spmem:s14], $0x2780  }
0x1d: {  	_ =	swait.ge [sflag:s10], $0x2780  }
0x1e: {  	s11 =	sadd.s32 $0x1, s11;
	s21 =	rddreg [dreg:$0xe]  }
0x1f: {  	p0 =	sne.s32 s11, s21  }
.Ltmp1:
0x20: {  	_ = 	snop;
	(pc) =	sbr.rel @!p0 .LBB2_7-.Ltmp1, $3  }
0x21: {  	_ =	sdelay $0x1  }
0x22: {  	[sflag:s10] =	ssyncset.done $0x0  }
0x23: {  	[sflag:s10] =	ssyncadd.s32 $0xFFFFD880  }
.LBB2_1:
0x24: {  	s12 =	simm.s32 $0x0;
	s14 =	simm.s32 $0x200  }
.LBB2_2:
0x25: {  	p0 =	sne.s32 s14, $0xFE00;
	[tilespmem:s12+$0x470] =	vst v0  }
0x26: {  	[tilespmem:s12+$0x400] =	vst v0  }
0x27: {  	[tilespmem:s12+$0x410] =	vst v0  }
.Ltmp2:
0x28: {  	[tilespmem:s12+$0x420] =	vst v0;
	(pc) =	sbr.rel @p0 .LBB2_2-.Ltmp2, $4  }
0x29: {  	[tilespmem:s12+$0x430] =	vst v0  }
0x2a: {  	[tilespmem:s12+$0x440] =	vst v0  }
0x2b: {  	[tilespmem:s12+$0x450] =	vst v0  }
0x2c: {  	[tilespmem:s12+$0x460] =	vst v0;
	s12 =	sshra.s32 s14, $0x2;
	s14 =	sadd.s32 $0x200, s14  }
0x2d: {  	[tilespmem:s12+$0x470] =	vst v0  }
0x2e: {  	[tilespmem:s12+$0x400] =	vst v0  }
0x2f: {  	[tilespmem:s12+$0x410] =	vst v0  }
0x30: {  	[tilespmem:s12+$0x420] =	vst v0  }
0x31: {  	[tilespmem:s12+$0x430] =	vst v0  }
0x32: {  	[tilespmem:s12+$0x440] =	vst v0  }
0x33: {  	[tilespmem:s12+$0x450] =	vst v0  }
0x34: {  	[tilespmem:s12+$0x460] =	vst v0  }
0x35: {  	[spmem:s8] =	stream.linear.scatter [tilespmem:s23], [sflag:$0x1], $0x4000, $0x38;
	v63 =	vld [tilespmem:$0x0]  }
0x36: {  	s16 =	rddreg [dreg:$0x4]  }
0x37: {  	[spmem:s16] =	stream.linear.scatter [tilespmem:s23], [sflag:$0x1], $0x4000, $0x38;
	v63 =	vld [tilespmem:$0x0]  }
0x38: {  	s17 =	rddreg [dreg:$0x5]  }
0x39: {  	[spmem:s17] =	stream.linear.scatter [tilespmem:s23], [sflag:$0x1], $0x4000, $0x38;
	v63 =	vld [tilespmem:$0x0]  }
0x3a: {  	s18 =	rddreg [dreg:$0x6]  }
0x3b: {  	[spmem:s18] =	stream.linear.scatter [tilespmem:s23], [sflag:$0x1], $0x4000, $0x38;
	v63 =	vld [tilespmem:$0x0]  }
0x3c: {  	s19 =	rddreg [dreg:$0x7]  }
0x3d: {  	[spmem:s19] =	stream.linear.scatter [tilespmem:s23], [sflag:$0x1], $0x3C00, $0x38;
	v63 =	vld [tilespmem:$0x0]  }
0x3e: {  	_ =	swait.ge [sflag:s24], $0x4000  }
0x3f: {  	[sflag:s24] =	ssyncset.done $0x0  }
0x40: {  	[sflag:s24] =	ssyncadd.s32 $0xFFFFC000  }
0x41: {  	_ =	swait.ge [sflag:s24], $0x4000  }
0x42: {  	[sflag:s24] =	ssyncset.done $0x0  }
0x43: {  	[sflag:s24] =	ssyncadd.s32 $0xFFFFC000  }
0x44: {  	_ =	swait.ge [sflag:s24], $0x4000  }
0x45: {  	[sflag:s24] =	ssyncset.done $0x0  }
0x46: {  	[sflag:s24] =	ssyncadd.s32 $0xFFFFC000  }
0x47: {  	_ =	swait.ge [sflag:s24], $0x4000  }
0x48: {  	[sflag:s24] =	ssyncset.done $0x0  }
0x49: {  	[sflag:s24] =	ssyncadd.s32 $0xFFFFC000  }
0x4a: {  	_ =	swait.ge [sflag:s24], $0x3C00  }
0x4b: {  	[sflag:s24] =	ssyncset.done $0x0  }
0x4c: {  	[sflag:s24] =	ssyncadd.s32 $0xFFFFC400  }
0x4d: {  	[bflag:$0x0] =	sbarrier.arrive $0xFFFF  }
0x4e: {  	s12 =	simm.s32 $0x0;
	s14 =	rddreg [dreg:$0x8]  }
0x4f: {  	[tilespmem:s12], [sflag:$0x1] =	stream.linear.gather [hbm4b:s14+s12], $0x80, $0x38;
	v63 =	vld [tilespmem:$0x0]  }
0x50: {  	s15 =	simm.s32 $0x200;
	s21 =	rddreg [dreg:$0x9]  }
0x51: {  	[tilespmem:s15], [sflag:$0x1] =	stream.linear.gather [hbm4b:s21+s12], $0x80, $0x38;
	v63 =	vld [tilespmem:$0x0]  }
0x52: {  	s15 =	rddreg [dreg:$0xa]  }
0x53: {  	[tilespmem:s26], [sflag:$0x2] =	stream.linear.gather [hbm4b:s15+s12], $0x80, $0x38;
	v63 =	vld [tilespmem:$0x0]  }
0x54: {  	s17 =	simm.s32 $0x280;
	s16 =	rddreg [dreg:$0xb]  }
0x55: {  	[tilespmem:s17], [sflag:$0x2] =	stream.linear.gather [hbm4b:s16+s12], $0x80, $0x38;
	v63 =	vld [tilespmem:$0x0]  }
0x56: {  	s18 =	rddreg [dreg:$0xc]  }
0x57: {  	[tilespmem:s29], [sflag:$0x3] =	stream.linear.gather [hbm4b:s18+s12], $0x80, $0x38;
	v63 =	vld [tilespmem:$0x0]  }
0x58: {  	s19 =	rddreg [dreg:$0xd]  }
0x59: {  	[tilespmem:s30], [sflag:$0x3] =	stream.linear.gather [hbm4b:s19+s12], $0x80, $0x38;
	v63 =	vld [tilespmem:$0x0]  }
0x5a: {  	_ =	swait.ge [sflag:s24], $0x80  }
0x5b: {  	[sflag:s24] =	ssyncset.done $0x0  }
0x5c: {  	[sflag:s24] =	ssyncadd.s32 $0xFFFFFF80  }
0x5d: {  	_ =	swait.ge [sflag:s24], $0x80  }
0x5e: {  	[sflag:s24] =	ssyncset.done $0x0  }
0x5f: {  	[sflag:s24] =	ssyncadd.s32 $0xFFFFFF80  }
0x60: {  	[tilespmem:s23], [sflag:$0x4] =	stream.indirect.gather [hbm4b:s1+s26], $0x80, s12, s26, $0xb8;
	v63 =	vld [tilespmem:$0x0]  }
0x61: {  	_ =	swait.ge [sflag:s31], $0x80  }
0x62: {  	[sflag:s31] =	ssyncset.done $0x0  }
0x63: {  	[sflag:s31] =	ssyncadd.s32 $0xFFFFFF80  }
0x64: {  	_ =	swait.ge [sflag:s31], $0x80  }
0x65: {  	[sflag:s31] =	ssyncset.done $0x0  }
0x66: {  	s14 =	simm.s32 $0x0;
	s21 =	simm.s32 $0x4400;
	[sflag:s31] =	ssyncadd.s32 $0xFFFFFF80  }
0x67: {  	[tilespmem:s21], [sflag:$0x5] =	stream.indirect.gather [hbm4b:s1+s26], $0x80, s26, s26, $0xb8;
	v63 =	vld [tilespmem:$0x0]  }
.LBB2_4:
0x68: {  	_ =	swait.ge [sflag:s3], $0x80  }
0x69: {  	[sflag:s3] =	ssyncset.done $0x0  }
0x6a: {  	[sflag:s3] =	ssyncadd.s32 $0xFFFFFF80  }
0x6b: {  	_ =	swait.ge [sflag:s3], $0x80  }
0x6c: {  	[sflag:s3] =	ssyncset.done $0x0  }
0x6d: {  	[sflag:s3] =	ssyncadd.s32 $0xFFFFFF80  }
0x6e: {  	[tilespmem:s25], [sflag:$0x6] =	stream.indirect.gather [hbm4b:s1+s26], $0x80, s29, s26, $0xb8;
	v63 =	vld [tilespmem:$0x0]  }
0x6f: {  	p1 =	sge.u32 s12, s13;
	_ =	swait.ge [sflag:s28], $0x4000  }
0x70: {  	p0 =	seq.s32 s14, $0x9C0;
	s15 =	simm.s32 @!p1 $0x80;
	[sflag:s28] =	ssyncset.done $0x0  }
0x71: {  	s16 =	simm.s32 @!p1 $0x200;
	s17 =	simm.s32 @!p1 $0x400;
	[sflag:s28] =	ssyncadd.s32 $0xFFFFC000  }
0x72: {  	[spmem:s2] =	stream.indirect.scatter.add.f32 @!p1 [tilespmem:s17], [sflag:$0x7], $0x80, s16, s15, $0xb8;
	v63 =	vld [tilespmem:$0x0]  }
0x73: {  	s15 =	sadd.s32 @!p0 s14, s7  }
0x74: {  	s16 =	sadd.s32 @!p0 $0x60, s15  }
0x75: {  	p2 =	slt.s32 @!p0 s16, $0x9C3  }
0x76: {  	s17 =	simm.s32 @!p1 $0x7;
	p2 =	por !p2, p0  }
0x77: {  	_ =	swait.ge @!p1 [sflag:s17], $0x4000;
	s16 =	simm.s32 @p2 $0x9C3  }
0x78: {  	[sflag:s17] =	ssyncset.done @!p1 $0x0;
	s16 =	sshll.u32 @!p0 s16, $0x4  }
0x79: {  	s18 =	simm.s32 @!p0 $0x0;
	[sflag:s17] =	ssyncadd.s32 @!p1 $0xFFFFC000;
	s17 =	sadd.s32 @!p0 s5, s16  }
0x7a: {  	[tilespmem:s18], [sflag:$0x1] =	stream.linear.gather @!p0 [hbm4b:s17+s18], $0x80, $0x38;
	v63 =	vld [tilespmem:$0x0]  }
0x7b: {  	s16 =	sadd.s32 @!p0 s6, s16;
	s17 =	simm.s32 @!p0 $0x200  }
0x7c: {  	[tilespmem:s17], [sflag:$0x1] =	stream.linear.gather @!p0 [hbm4b:s16+s18], $0x80, $0x38;
	v63 =	vld [tilespmem:$0x0]  }
0x7d: {  	s16 =	simm.s32 @!p0 $0x1  }
0x7e: {  	_ =	swait.ge @!p0 [sflag:s16], $0x80  }
0x7f: {  	[sflag:s16] =	ssyncset.done @!p0 $0x0  }
0x80: {  	[sflag:s16] =	ssyncadd.s32 @!p0 $0xFFFFFF80  }
0x81: {  	_ =	swait.ge @!p0 [sflag:s16], $0x80  }
0x82: {  	[sflag:s16] =	ssyncset.done @!p0 $0x0  }
0x83: {  	s17 =	simm.s32 @!p0 $0x400;
	[sflag:s16] =	ssyncadd.s32 @!p0 $0xFFFFFF80;
	s16 =	simm.s32 @!p0 $0x80  }
0x84: {  	[tilespmem:s17], [sflag:$0x4] =	stream.indirect.gather @!p0 [hbm4b:s1+s16], $0x80, s18, s16, $0xb8;
	v63 =	vld [tilespmem:$0x0]  }
0x85: {  	s17 =	sadd.s32 @!p0 $0x1, s12;
	_ =	swait.ge [sflag:s0], $0x4000  }
0x86: {  	s15 =	sadd.s32 @!p0 $0x80, s15;
	s17 =	simm.s32 @p0 $0x4F;
	[sflag:s0] =	ssyncset.done $0x0  }
0x87: {  	p2 =	slt.s32 @!p0 s15, $0x9C3;
	p1 =	sge.u32 s17, s13;
	[sflag:s0] =	ssyncadd.s32 $0xFFFFC000  }
0x88: {  	s17 =	simm.s32 @!p1 $0x80;
	s19 =	simm.s32 @!p1 $0x280;
	s21 =	simm.s32 @!p1 $0x4400  }
0x89: {  	[spmem:s2] =	stream.indirect.scatter.add.f32 @!p1 [tilespmem:s21], [sflag:$0x7], $0x80, s19, s17, $0xb8;
	v63 =	vld [tilespmem:$0x0]  }
0x8a: {  	p2 =	por !p2, p0;
	s17 =	simm.s32 @!p1 $0x7  }
0x8b: {  	s15 =	simm.s32 @p2 $0x9C3;
	_ =	swait.ge @!p1 [sflag:s17], $0x4000  }
0x8c: {  	s15 =	sshll.u32 @!p0 s15, $0x4;
	[sflag:s17] =	ssyncset.done @!p1 $0x0  }
0x8d: {  	[sflag:s17] =	ssyncadd.s32 @!p1 $0xFFFFC000;
	s17 =	sadd.s32 @!p0 s5, s15  }
0x8e: {  	[tilespmem:s16], [sflag:$0x2] =	stream.linear.gather @!p0 [hbm4b:s17+s18], $0x80, $0x38;
	v63 =	vld [tilespmem:$0x0]  }
0x8f: {  	s15 =	sadd.s32 @!p0 s6, s15;
	s17 =	simm.s32 @!p0 $0x280  }
0x90: {  	[tilespmem:s17], [sflag:$0x2] =	stream.linear.gather @!p0 [hbm4b:s15+s18], $0x80, $0x38;
	v63 =	vld [tilespmem:$0x0]  }
0x91: {  	s15 =	simm.s32 @!p0 $0x2  }
0x92: {  	_ =	swait.ge @!p0 [sflag:s15], $0x80  }
0x93: {  	[sflag:s15] =	ssyncset.done @!p0 $0x0  }
0x94: {  	[sflag:s15] =	ssyncadd.s32 @!p0 $0xFFFFFF80  }
0x95: {  	_ =	swait.ge @!p0 [sflag:s15], $0x80  }
0x96: {  	[sflag:s15] =	ssyncset.done @!p0 $0x0  }
0x97: {  	[sflag:s15] =	ssyncadd.s32 @!p0 $0xFFFFFF80;
	s15 =	simm.s32 @!p0 $0x4400  }
0x98: {  	[tilespmem:s15], [sflag:$0x5] =	stream.indirect.gather @!p0 [hbm4b:s1+s16], $0x80, s16, s16, $0xb8;
	v63 =	vld [tilespmem:$0x0]  }
0x99: {  	p1 =	sge.u32 s12, s20;
	_ =	swait.ge [sflag:s9], $0x4000  }
0x9a: {  	s17 =	simm.s32 @!p1 $0x8400;
	[sflag:s9] =	ssyncset.done $0x0  }
0x9b: {  	s15 =	simm.s32 @!p1 $0x80;
	s16 =	simm.s32 @!p1 $0x300;
	[sflag:s9] =	ssyncadd.s32 $0xFFFFC000  }
0x9c: {  	[spmem:s2] =	stream.indirect.scatter.add.f32 @!p1 [tilespmem:s17], [sflag:$0x7], $0x80, s16, s15, $0xb8;
	v63 =	vld [tilespmem:$0x0]  }
.Ltmp3:
0x9d: {  	_ = 	snop;
	(pc) =	sbr.rel @p0 .LBB2_6-.Ltmp3, $4  }
0x9e: {  	s15 =	simm.s32 @!p1 $0x7  }
0x9f: {  	_ =	swait.ge @!p1 [sflag:s15], $0x4000  }
0xa0: {  	[sflag:s15] =	ssyncset.done @!p1 $0x0  }
0xa1: {  	[sflag:s15] =	ssyncadd.s32 @!p1 $0xFFFFC000  }
0xa2: {  	s15 =	sadd.s32 s14, s7  }
0xa3: {  	s15 =	sadd.s32 $0xA0, s15  }
0xa4: {  	p0 =	slt.s32 s15, $0x9C3  }
0xa5: {  	s15 =	simm.s32 @!p0 $0x9C3  }
.Ltmp4:
0xa6: {  	s15 =	sshll.u32 s15, $0x4;
	(pc) =	sbr.rel .LBB2_4-.Ltmp4, $4  }
0xa7: {  	s16 =	sadd.s32 s5, s15  }
0xa8: {  	[tilespmem:s29], [sflag:$0x3] =	stream.linear.gather [hbm4b:s16+s4], $0x80, $0x38;
	v63 =	vld [tilespmem:$0x0]  }
0xa9: {  	s14 =	sadd.s32 $0x60, s14;
	s12 =	sadd.s32 $0x3, s12;
	s15 =	sadd.s32 s6, s15  }
0xaa: {  	[tilespmem:s30], [sflag:$0x3] =	stream.linear.gather [hbm4b:s15+s4], $0x80, $0x38;
	v63 =	vld [tilespmem:$0x0]  }
.LBB2_7:
0xab: {  	_ =	sfence.sel $0x180000  }
0xac: {  	[bflag:$0x0] =	sbarrier.arrive $0xFFFF  }
0xad: {  	_ =	strace $0x9000004A  }
0xae: {  	s0 =	stileid.u32;
	[bflag:$0x2] =	sbarrier.arrive $0xFFFF  }
0xaf: {  	p0 =	sne.s32 s0, $0x0;
	s0 =	rddreg [dreg:$0x3]  }
0xb0: {  	s0 =	sadd.s32 @!p0 $0x100000, s0  }
0xb1: {  	[sflag:s0] =	ssyncadd.tile.s32 @!p0 $0x1;
	_ =	shalt  }
.Lfunc_end2:
_tile_overlayer_lowered:
.L_overlay_start_2:
0xb2: {  	(tag) =	ssettag $0x2  }
0xb3: {  	s0 =	rddreg [dreg:$0x0];
	s2 =	stileid.u32  }
0xb4: {  	s1 =	rddreg [dreg:$0x1];
	p0 =	sne.s32 s2, $0x0  }
0xb5: {  	s3 =	rddreg [dreg:$0x2];
	[bflag:$0x3] =	sbarrier.arrive $0xFFFF;
	s2 =	simm.s32 @!p0 $0x1C07  }
0xb6: {  	[timem:s3], [sflag:s2] =	dma.local @!p0 [hbm:s0], s1  }
0xb7: {  	s0 =	simm.s32 @!p0 $0x7  }
0xb8: {  	_ =	swait.ge @!p0 [sflag:s0], s1  }
0xb9: {  	s1 =	ssub.s32 @!p0 $0x0, s1;
	[sflag:s0] =	ssyncset.done @!p0 $0x0  }
0xba: {  	[sflag:s0] =	ssyncadd.s32 @!p0 s1  }
0xbb: {  	[bflag:$0x3] =	sbarrier.arrive $0xFFFF  }
0xbc: {  	_ =	shalt  }

</sc_bundles>
